<compile_context>
chip_gen: v7x
topology: tpu7x:2x2x1
jax: 0.10.2.dev20260603
libtpu: 0.0.44.dev20260713+nightly
codegen_flags: <defaults>
</compile_context>

<pallas_src>
import functools

import jax
import jax.numpy as jnp
from jax import lax
from jax.experimental import pallas as pl
from jax.experimental.pallas import tpu as pltpu
from jax.experimental.pallas import tpu_sc as plsc

N = 10000
D = 128
B = 500
EPT = 32
ZSTRIDE = 624
ZROWS = 64
ZFILL = 640
NSLOTS = 512
LANES = 16

_mesh = plsc.VectorSubcoreMesh(core_axis_name="c", subcore_axis_name="s")

_f32 = jnp.float32
_i32 = jnp.int32


def _body(uf, nf, efh, ei, out_u, out_n,
          zbuf, rowsv, efv, sumsv, featv, outv, eiv, idxo, idxp, cntv, onesv,
          acc, cnt_sh, s_zero, s_a, s_b, s_c):
    c = lax.axis_index("c")
    s = lax.axis_index("s")
    base = s * EPT

    is0 = c == 0
    is1 = c == 1

    dei = pltpu.async_copy(ei.at[pl.ds(0, 2), pl.ds(0, NSLOTS)], eiv, s_c)

    def _zb(i, t):
        for j in range(D // LANES):
            zbuf[i, pl.ds(LANES * j, LANES)] = jnp.zeros((LANES,), _f32)
        return t
    lax.fori_loop(0, ZROWS, _zb, 0)
    row0 = s * ZSTRIDE

    def _fire_zero(out_ref, chunks):
        for off, nchunk in chunks:
            pltpu.async_copy(zbuf.at[pl.ds(0, nchunk)],
                             out_ref.at[pl.ds(row0 + off, nchunk)],
                             s_zero)

    _C0 = [(i * 64, 64) for i in range(10)]
    _C1 = [(i * 64, 64) for i in range(9)] + [(576, 32), (608, 32)]
    _SITES0 = (_C0[0:2], _C0[2:6], _C0[6:10])
    _SITES1 = (_C1[0:3], _C1[3:7], _C1[7:11])

    def _fire_zero_both(site):
        @pl.when(is0)
        def _():
            _fire_zero(out_u, _SITES0[site])

        @pl.when(is1)
        def _():
            _fire_zero(out_n, _SITES1[site])

    dei.wait()

    def _extract(own_row, opp_row):
        for k in range(EPT // LANES):
            sl = pl.ds(LANES * k, LANES)
            idxo[sl] = eiv[own_row, pl.ds(base + LANES * k, LANES)]
            idxp[sl] = eiv[opp_row, pl.ds(base + LANES * k, LANES)]

    @pl.when(is0)
    def _():
        _extract(0, 1)

    @pl.when(is1)
    def _():
        _extract(1, 0)

    @pl.when(is0)
    def _():
        pltpu.async_copy(nf.at[idxp], rowsv, s_a)
        pltpu.async_copy(uf.at[idxo], featv, s_c)

    @pl.when(is1)
    def _():
        pltpu.async_copy(nf.at[idxo], featv, s_c)
        pltpu.async_copy(uf.at[idxp], rowsv, s_a)

    d2 = pltpu.async_copy(efh.at[pl.ds(base, EPT)], efv, s_a)
    z1 = pltpu.async_copy(zbuf.at[pl.ds(0, EPT)], acc.at[idxo], s_b)
    z2 = pltpu.async_copy(zbuf.at[0, pl.ds(0, EPT)], cnt_sh.at[idxo], s_b)
    _fire_zero_both(0)

    @pl.when(is0)
    def _():
        pltpu.make_async_copy(nf.at[idxp], rowsv, s_a).wait()

    @pl.when(is1)
    def _():
        pltpu.make_async_copy(uf.at[idxp.at[pl.ds(0, EPT // 2)]],
                              rowsv.at[pl.ds(0, EPT // 2)], s_a).wait()
        pltpu.make_async_copy(uf.at[idxp.at[pl.ds(EPT // 2, EPT // 2)]],
                              rowsv.at[pl.ds(EPT // 2, EPT // 2)], s_a).wait()

    d2.wait()
    z1.wait()
    z2.wait()
    plsc.subcore_barrier()

    def _msg(e, t):
        w = jnp.where(base + e < B, jnp.float32(1.0), jnp.float32(0.0))
        for j in range(D // LANES):
            sl = pl.ds(LANES * j, LANES)
            rowsv[e, sl] = rowsv[e, sl] * efv[e, sl] * w
        return t
    lax.fori_loop(0, EPT, _msg, 0)
    for k in range(EPT // LANES):
        lane = base + LANES * k + lax.iota(_i32, LANES)
        onesv[pl.ds(LANES * k, LANES)] = jnp.where(
            lane < B, jnp.float32(1.0), jnp.float32(0.0))

    a1 = pltpu.async_copy(rowsv, acc.at[idxo], s_b, add=True)
    a2 = pltpu.async_copy(onesv, cnt_sh.at[idxo], s_b, add=True)
    _fire_zero_both(1)
    a1.wait()
    a2.wait()
    plsc.subcore_barrier()

    d3 = pltpu.async_copy(acc.at[idxo], sumsv, s_a)
    d4 = pltpu.async_copy(cnt_sh.at[idxo], cntv, s_a)
    _fire_zero_both(2)
    d3.wait()
    d4.wait()

    @pl.when(is0)
    def _():
        pltpu.make_async_copy(uf.at[idxo], featv, s_c).wait()

    @pl.when(is1)
    def _():
        pltpu.make_async_copy(nf.at[idxo.at[pl.ds(0, EPT // 2)]],
                              featv.at[pl.ds(0, EPT // 2)], s_c).wait()
        pltpu.make_async_copy(nf.at[idxo.at[pl.ds(EPT // 2, EPT // 2)]],
                              featv.at[pl.ds(EPT // 2, EPT // 2)], s_c).wait()

    def _out(e, t):
        cvec = plsc.load_gather(cntv, [jnp.full((LANES,), e, _i32)])
        flag = (cvec > 0).astype(_f32)
        inv = jnp.float32(1.0) / jnp.maximum(cvec, jnp.float32(1.0))
        for j in range(D // LANES):
            sl = pl.ds(LANES * j, LANES)
            outv[e, sl] = (sumsv[e, sl] * inv + featv[e, sl]) * flag
        return t
    lax.fori_loop(0, EPT, _out, 0)

    def _drain_zero(out_ref, chunks):
        for _, nchunk in chunks:
            pltpu.make_async_copy(zbuf.at[pl.ds(0, nchunk)],
                                  out_ref.at[pl.ds(0, nchunk)], s_zero).wait()

    @pl.when(is0)
    def _():
        _drain_zero(out_u, _C0)

    @pl.when(is1)
    def _():
        _drain_zero(out_n, _C1)

    plsc.subcore_barrier()

    @pl.when(is0)
    def _():
        pltpu.sync_copy(outv, out_u.at[idxo])

    @pl.when(is1)
    def _():
        d9 = pltpu.async_copy(outv, out_n.at[idxo], s_c)
        d9.wait()


_gcn_sc = functools.partial(
    pl.kernel,
    out_type=(jax.ShapeDtypeStruct((N, D), _f32),
              jax.ShapeDtypeStruct((N, D), _f32)),
    mesh=_mesh,
    compiler_params=pltpu.CompilerParams(
        needs_layout_passes=False,
        skip_device_barrier=True,
        disable_bounds_checks=True,
        disable_semaphore_checks=True,
    ),
    scratch_types=[
        pltpu.VMEM((ZROWS, D), _f32),
        pltpu.VMEM((EPT, D), _f32),
        pltpu.VMEM((EPT, D), _f32),
        pltpu.VMEM((EPT, D), _f32),
        pltpu.VMEM((EPT, D), _f32),
        pltpu.VMEM((EPT, D), _f32),
        pltpu.VMEM((2, NSLOTS), _i32),
        pltpu.VMEM((EPT,), _i32),
        pltpu.VMEM((EPT,), _i32),
        pltpu.VMEM((EPT,), _f32),
        pltpu.VMEM((EPT,), _f32),
        pltpu.VMEM_SHARED((N, D), _f32),
        pltpu.VMEM_SHARED((N,), _f32),
        pltpu.SemaphoreType.DMA,
        pltpu.SemaphoreType.DMA,
        pltpu.SemaphoreType.DMA,
        pltpu.SemaphoreType.DMA,
    ],
)(_body)


def kernel(user_feat, news_feat, edge_feat, edge_index):
    return _gcn_sc(user_feat, news_feat, edge_feat, edge_index)

# --- scband reference (transcript-rebuilt; emitter-appended) ---
"""Pipeline reference for scband-gcn-51281909514859 (READ-ONLY COPY).

The authoritative reference and input builder live on the scoring server;
editing this copy changes nothing except your own understanding.
"""

import jax, jax.numpy as jnp
import numpy as np

BATCH_SIZE = 500
NUM_USERS = 10000
NUM_NEWS = 10000
NUM_EDGES = 320000
DIM = 128


def setup_inputs(seed: int = 0) -> dict:
    key = jax.random.key(seed)
    k1, k2, k3, k4 = jax.random.split(key, 4)
    user_feat = jax.random.normal(k1, (NUM_USERS, DIM), dtype=jnp.float32)
    news_feat = jax.random.normal(k2, (NUM_NEWS, DIM), dtype=jnp.float32)
    edge_feat = jax.random.normal(k3, (NUM_EDGES, DIM), dtype=jnp.float32)
    edge_index = jax.random.randint(k4, (2, NUM_EDGES), 0, NUM_USERS, dtype=jnp.int32)
    return {"user_feat": user_feat, "news_feat": news_feat, "edge_feat": edge_feat, "edge_index": edge_index}


def reference(user_feat, news_feat, edge_feat, edge_index):
    # Faithful translation of the DGL heterograph GCN.
    # etype 'clicked': user (src) -> news (dst); 'clicked_reverse': news -> user.
    # NOTE: batch_GCN contains `return` inside the batching loop, so only the
    # FIRST batch of `batch_size` edges is ever processed (faithful to source).
    # DGL send_and_recv zero-initializes 'new_feat' for nodes receiving no message.
    num_edges = edge_feat.shape[0]
    B = min(BATCH_SIZE, num_edges)
    src_u = edge_index[0, :B]  # user endpoints
    dst_n = edge_index[1, :B]  # news endpoints
    ef = edge_feat[:B]

    # --- etype 'clicked_reverse': news -> user, update user feats ---
    msg_u = news_feat[dst_n] * ef                              # (B, D)
    sum_u = jnp.zeros_like(user_feat).at[src_u].add(msg_u)
    cnt_u = jnp.zeros((user_feat.shape[0], 1), dtype=user_feat.dtype).at[src_u].add(1.0)
    mean_u = sum_u / jnp.maximum(cnt_u, 1.0)
    updated_user_feats = jnp.where(cnt_u > 0, mean_u + user_feat, jnp.zeros_like(user_feat))

    # --- etype 'clicked': user -> news, update news feats ---
    msg_n = user_feat[src_u] * ef                              # (B, D)
    sum_n = jnp.zeros_like(news_feat).at[dst_n].add(msg_n)
    cnt_n = jnp.zeros((news_feat.shape[0], 1), dtype=news_feat.dtype).at[dst_n].add(1.0)
    mean_n = sum_n / jnp.maximum(cnt_n, 1.0)
    updated_news_feats = jnp.where(cnt_n > 0, mean_n + news_feat, jnp.zeros_like(news_feat))

    return (updated_user_feats, updated_news_feats)

if __name__ == "__main__":
    import jax
    _d = setup_inputs()
    print(jax.jit(kernel)(*tuple(_d.values())))

</pallas_src>

<mosaic_0001>
#map = affine_map<(d0, d1) -> (0, 0)>
module attributes {stable_mosaic.version = 14 : i64} {
  func.func @_body(%arg0: i32, %arg1: i32, %arg2: memref<10000x128xf32, #tpu.memory_space<hbm>>, %arg3: memref<10000x128xf32, #tpu.memory_space<hbm>>, %arg4: memref<320000x128xf32, #tpu.memory_space<hbm>>, %arg5: memref<2x320000xi32, #tpu.memory_space<hbm>>, %arg6: memref<10000x128xf32, #tpu.memory_space<hbm>>, %arg7: memref<10000x128xf32, #tpu.memory_space<hbm>>, %arg8: memref<64x128xf32, #tpu.memory_space<vmem>>, %arg9: memref<32x128xf32, #tpu.memory_space<vmem>>, %arg10: memref<32x128xf32, #tpu.memory_space<vmem>>, %arg11: memref<32x128xf32, #tpu.memory_space<vmem>>, %arg12: memref<32x128xf32, #tpu.memory_space<vmem>>, %arg13: memref<32x128xf32, #tpu.memory_space<vmem>>, %arg14: memref<2x512xi32, #tpu.memory_space<vmem>>, %arg15: memref<32xi32, #tpu.memory_space<vmem>>, %arg16: memref<32xi32, #tpu.memory_space<vmem>>, %arg17: memref<32xf32, #tpu.memory_space<vmem>>, %arg18: memref<32xf32, #tpu.memory_space<vmem>>, %arg19: memref<10000x128xf32, #tpu.memory_space<vmem_shared>>, %arg20: memref<10000xf32, #tpu.memory_space<vmem_shared>>, %arg21: memref<!tpu.dma_semaphore, #tpu.memory_space<semaphore_mem>>, %arg22: memref<!tpu.dma_semaphore, #tpu.memory_space<semaphore_mem>>, %arg23: memref<!tpu.dma_semaphore, #tpu.memory_space<semaphore_mem>>, %arg24: memref<!tpu.dma_semaphore, #tpu.memory_space<semaphore_mem>>) attributes {dimension_semantics = [#tpu.dimension_semantics<core_parallel>, #tpu.dimension_semantics<subcore_parallel>], iteration_bounds = array<i64: 2, 16>, scalar_prefetch = 0 : i64, scratch_operands = 17 : i64, tpu.core_type = #tpu.core_type<sc_vector_subcore>, window_params = [{transform_indices = #map}, {transform_indices = #map}, {transform_indices = #map}, {transform_indices = #map}, {transform_indices = #map}, {transform_indices = #map}]} {
    %mul3A = arith.constant 32 : i32
    %mul3A_0 = arith.muli %arg1, %mul3A : i32
    %eq3A = arith.constant 0 : i32
    %eq3A_1 = arith.cmpi eq, %arg0, %eq3A : i32
    %eq3A_2 = arith.constant 1 : i32
    %eq3A_3 = arith.cmpi eq, %arg0, %eq3A_2 : i32
    %dma_start3A = arith.constant 0 : i32
    %dma_start3A_4 = arith.constant 0 : i32
    %dma_start3A_5 = tpu.memref_slice %arg5[%dma_start3A, %dma_start3A_4] : memref<2x320000xi32, #tpu.memory_space<hbm>> -> memref<2x512xi32, #tpu.memory_space<hbm>>
    %dma_start3A_6 = arith.constant 0 : i32
    %dma_start3A_7 = arith.constant 0 : i32
    %dma_start3A_8 = tpu.memref_slice %arg5[%dma_start3A_6, %dma_start3A_7] : memref<2x320000xi32, #tpu.memory_space<hbm>> -> memref<2x512xi32, #tpu.memory_space<hbm>>
    tpu.enqueue_dma source(%dma_start3A_8 : memref<2x512xi32, #tpu.memory_space<hbm>>) target(%arg14 : memref<2x512xi32, #tpu.memory_space<vmem>>) target_semaphore(%arg24 : memref<!tpu.dma_semaphore, #tpu.memory_space<semaphore_mem>>)
    %scan3A = arith.constant 0 : i32
    %scan3A_9 = arith.constant 0 : i32
    %scan3A_10 = arith.constant 64 : i32
    %scan3A_11 = arith.addi %scan3A_9, %scan3A_10 : i32
    %scan3A_12 = arith.constant 1 : i32
    scf.for %scan3A_162 = %scan3A_9 to %scan3A_11 step %scan3A_12  : i32 {
      %broadcast_in_dim3A_163 = arith.constant 0.000000e+00 : f32
      %broadcast_in_dim3A_164 = vector.broadcast %broadcast_in_dim3A_163 : f32 to vector<16xf32>
      %swap3A_165 = arith.index_cast %scan3A_162 : i32 to index
      %swap3A_166 = arith.constant 0 : index
      %swap3A_167 = tpu.vector_load %arg8[%swap3A_165, %swap3A_166] {strides = array<i32>} : memref<64x128xf32, #tpu.memory_space<vmem>>, vector<16xf32>,
      tpu.vector_store %arg8[%swap3A_165, %swap3A_166], %broadcast_in_dim3A_164 {strides = array<i32>} : memref<64x128xf32, #tpu.memory_space<vmem>>, vector<16xf32>,
      %broadcast_in_dim3A_168 = arith.constant 0.000000e+00 : f32
      %broadcast_in_dim3A_169 = vector.broadcast %broadcast_in_dim3A_168 : f32 to vector<16xf32>
      %swap3A_170 = arith.index_cast %scan3A_162 : i32 to index
      %swap3A_171 = arith.constant 16 : index
      %swap3A_172 = tpu.vector_load %arg8[%swap3A_170, %swap3A_171] {strides = array<i32>} : memref<64x128xf32, #tpu.memory_space<vmem>>, vector<16xf32>,
      tpu.vector_store %arg8[%swap3A_170, %swap3A_171], %broadcast_in_dim3A_169 {strides = array<i32>} : memref<64x128xf32, #tpu.memory_space<vmem>>, vector<16xf32>,
      %broadcast_in_dim3A_173 = arith.constant 0.000000e+00 : f32
      %broadcast_in_dim3A_174 = vector.broadcast %broadcast_in_dim3A_173 : f32 to vector<16xf32>
      %swap3A_175 = arith.index_cast %scan3A_162 : i32 to index
      %swap3A_176 = arith.constant 32 : index
      %swap3A_177 = tpu.vector_load %arg8[%swap3A_175, %swap3A_176] {strides = array<i32>} : memref<64x128xf32, #tpu.memory_space<vmem>>, vector<16xf32>,
      tpu.vector_store %arg8[%swap3A_175, %swap3A_176], %broadcast_in_dim3A_174 {strides = array<i32>} : memref<64x128xf32, #tpu.memory_space<vmem>>, vector<16xf32>,
      %broadcast_in_dim3A_178 = arith.constant 0.000000e+00 : f32
      %broadcast_in_dim3A_179 = vector.broadcast %broadcast_in_dim3A_178 : f32 to vector<16xf32>
      %swap3A_180 = arith.index_cast %scan3A_162 : i32 to index
      %swap3A_181 = arith.constant 48 : index
      %swap3A_182 = tpu.vector_load %arg8[%swap3A_180, %swap3A_181] {strides = array<i32>} : memref<64x128xf32, #tpu.memory_space<vmem>>, vector<16xf32>,
      tpu.vector_store %arg8[%swap3A_180, %swap3A_181], %broadcast_in_dim3A_179 {strides = array<i32>} : memref<64x128xf32, #tpu.memory_space<vmem>>, vector<16xf32>,
      %broadcast_in_dim3A_183 = arith.constant 0.000000e+00 : f32
      %broadcast_in_dim3A_184 = vector.broadcast %broadcast_in_dim3A_183 : f32 to vector<16xf32>
      %swap3A_185 = arith.index_cast %scan3A_162 : i32 to index
      %swap3A_186 = arith.constant 64 : index
      %swap3A_187 = tpu.vector_load %arg8[%swap3A_185, %swap3A_186] {strides = array<i32>} : memref<64x128xf32, #tpu.memory_space<vmem>>, vector<16xf32>,
      tpu.vector_store %arg8[%swap3A_185, %swap3A_186], %broadcast_in_dim3A_184 {strides = array<i32>} : memref<64x128xf32, #tpu.memory_space<vmem>>, vector<16xf32>,
      %broadcast_in_dim3A_188 = arith.constant 0.000000e+00 : f32
      %broadcast_in_dim3A_189 = vector.broadcast %broadcast_in_dim3A_188 : f32 to vector<16xf32>
      %swap3A_190 = arith.index_cast %scan3A_162 : i32 to index
      %swap3A_191 = arith.constant 80 : index
      %swap3A_192 = tpu.vector_load %arg8[%swap3A_190, %swap3A_191] {strides = array<i32>} : memref<64x128xf32, #tpu.memory_space<vmem>>, vector<16xf32>,
      tpu.vector_store %arg8[%swap3A_190, %swap3A_191], %broadcast_in_dim3A_189 {strides = array<i32>} : memref<64x128xf32, #tpu.memory_space<vmem>>, vector<16xf32>,
      %broadcast_in_dim3A_193 = arith.constant 0.000000e+00 : f32
      %broadcast_in_dim3A_194 = vector.broadcast %broadcast_in_dim3A_193 : f32 to vector<16xf32>
      %swap3A_195 = arith.index_cast %scan3A_162 : i32 to index
      %swap3A_196 = arith.constant 96 : index
      %swap3A_197 = tpu.vector_load %arg8[%swap3A_195, %swap3A_196] {strides = array<i32>} : memref<64x128xf32, #tpu.memory_space<vmem>>, vector<16xf32>,
      tpu.vector_store %arg8[%swap3A_195, %swap3A_196], %broadcast_in_dim3A_194 {strides = array<i32>} : memref<64x128xf32, #tpu.memory_space<vmem>>, vector<16xf32>,
      %broadcast_in_dim3A_198 = arith.constant 0.000000e+00 : f32
      %broadcast_in_dim3A_199 = vector.broadcast %broadcast_in_dim3A_198 : f32 to vector<16xf32>
      %swap3A_200 = arith.index_cast %scan3A_162 : i32 to index
      %swap3A_201 = arith.constant 112 : index
      %swap3A_202 = tpu.vector_load %arg8[%swap3A_200, %swap3A_201] {strides = array<i32>} : memref<64x128xf32, #tpu.memory_space<vmem>>, vector<16xf32>,
      tpu.vector_store %arg8[%swap3A_200, %swap3A_201], %broadcast_in_dim3A_199 {strides = array<i32>} : memref<64x128xf32, #tpu.memory_space<vmem>>, vector<16xf32>,
    }
    %scan3A_13 = arith.constant 64 : i32
    %mul3A_14 = arith.constant 624 : i32
    %mul3A_15 = arith.muli %arg1, %mul3A_14 : i32
    %dma_wait3A = arith.constant 0 : i32
    %dma_wait3A_16 = arith.constant 0 : i32
    %dma_wait3A_17 = tpu.memref_slice %arg5[%dma_wait3A, %dma_wait3A_16] : memref<2x320000xi32, #tpu.memory_space<hbm>> -> memref<2x512xi32, #tpu.memory_space<hbm>>
    %dma_wait3A_18 = arith.constant 0 : i32
    %dma_wait3A_19 = arith.constant 0 : i32
    %dma_wait3A_20 = tpu.memref_slice %arg5[%dma_wait3A_18, %dma_wait3A_19] : memref<2x320000xi32, #tpu.memory_space<hbm>> -> memref<2x512xi32, #tpu.memory_space<hbm>>
    tpu.wait_dma2 semaphore(%arg24 : memref<!tpu.dma_semaphore, #tpu.memory_space<semaphore_mem>>) src(%dma_wait3A_20 : memref<2x512xi32, #tpu.memory_space<hbm>>) dst(%arg14 : memref<2x512xi32, #tpu.memory_space<vmem>>)
    %convert_element_type3A = arith.extui %eq3A_1 : i1 to i32
    %cond3A = arith.constant 0 : i32
    %cond3A_21 = arith.cmpi ne, %convert_element_type3A, %cond3A : i32
    scf.if %cond3A_21 {
      %add3A_162 = arith.constant 0 : i32
      %add3A_163 = arith.addi %mul3A_0, %add3A_162 : i32
      %get3A = arith.constant 0 : i32
      %get3A_164 = arith.index_cast %get3A : i32 to index
      %get3A_165 = arith.index_cast %add3A_163 : i32 to index
      %get3A_166 = tpu.vector_load %arg14[%get3A_164, %get3A_165] {strides = array<i32>} : memref<2x512xi32, #tpu.memory_space<vmem>>, vector<16xi32>,
      %swap3A_167 = arith.constant 0 : index
      %swap3A_168 = tpu.vector_load %arg15[%swap3A_167] {strides = array<i32>} : memref<32xi32, #tpu.memory_space<vmem>>, vector<16xi32>,
      tpu.vector_store %arg15[%swap3A_167], %get3A_166 {strides = array<i32>} : memref<32xi32, #tpu.memory_space<vmem>>, vector<16xi32>,
      %add3A_169 = arith.constant 0 : i32
      %add3A_170 = arith.addi %mul3A_0, %add3A_169 : i32
      %get3A_171 = arith.constant 1 : i32
      %get3A_172 = arith.index_cast %get3A_171 : i32 to index
      %get3A_173 = arith.index_cast %add3A_170 : i32 to index
      %get3A_174 = tpu.vector_load %arg14[%get3A_172, %get3A_173] {strides = array<i32>} : memref<2x512xi32, #tpu.memory_space<vmem>>, vector<16xi32>,
      %swap3A_175 = arith.constant 0 : index
      %swap3A_176 = tpu.vector_load %arg16[%swap3A_175] {strides = array<i32>} : memref<32xi32, #tpu.memory_space<vmem>>, vector<16xi32>,
      tpu.vector_store %arg16[%swap3A_175], %get3A_174 {strides = array<i32>} : memref<32xi32, #tpu.memory_space<vmem>>, vector<16xi32>,
      %add3A_177 = arith.constant 16 : i32
      %add3A_178 = arith.addi %mul3A_0, %add3A_177 : i32
      %get3A_179 = arith.constant 0 : i32
      %get3A_180 = arith.index_cast %get3A_179 : i32 to index
      %get3A_181 = arith.index_cast %add3A_178 : i32 to index
      %get3A_182 = tpu.vector_load %arg14[%get3A_180, %get3A_181] {strides = array<i32>} : memref<2x512xi32, #tpu.memory_space<vmem>>, vector<16xi32>,
      %swap3A_183 = arith.constant 16 : index
      %swap3A_184 = tpu.vector_load %arg15[%swap3A_183] {strides = array<i32>} : memref<32xi32, #tpu.memory_space<vmem>>, vector<16xi32>,
      tpu.vector_store %arg15[%swap3A_183], %get3A_182 {strides = array<i32>} : memref<32xi32, #tpu.memory_space<vmem>>, vector<16xi32>,
      %add3A_185 = arith.constant 16 : i32
      %add3A_186 = arith.addi %mul3A_0, %add3A_185 : i32
      %get3A_187 = arith.constant 1 : i32
      %get3A_188 = arith.index_cast %get3A_187 : i32 to index
      %get3A_189 = arith.index_cast %add3A_186 : i32 to index
      %get3A_190 = tpu.vector_load %arg14[%get3A_188, %get3A_189] {strides = array<i32>} : memref<2x512xi32, #tpu.memory_space<vmem>>, vector<16xi32>,
      %swap3A_191 = arith.constant 16 : index
      %swap3A_192 = tpu.vector_load %arg16[%swap3A_191] {strides = array<i32>} : memref<32xi32, #tpu.memory_space<vmem>>, vector<16xi32>,
      tpu.vector_store %arg16[%swap3A_191], %get3A_190 {strides = array<i32>} : memref<32xi32, #tpu.memory_space<vmem>>, vector<16xi32>,
    } else {
    }
    %convert_element_type3A_22 = arith.extui %eq3A_3 : i1 to i32
    %cond3A_23 = arith.constant 0 : i32
    %cond3A_24 = arith.cmpi ne, %convert_element_type3A_22, %cond3A_23 : i32
    scf.if %cond3A_24 {
      %add3A_162 = arith.constant 0 : i32
      %add3A_163 = arith.addi %mul3A_0, %add3A_162 : i32
      %get3A = arith.constant 1 : i32
      %get3A_164 = arith.index_cast %get3A : i32 to index
      %get3A_165 = arith.index_cast %add3A_163 : i32 to index
      %get3A_166 = tpu.vector_load %arg14[%get3A_164, %get3A_165] {strides = array<i32>} : memref<2x512xi32, #tpu.memory_space<vmem>>, vector<16xi32>,
      %swap3A_167 = arith.constant 0 : index
      %swap3A_168 = tpu.vector_load %arg15[%swap3A_167] {strides = array<i32>} : memref<32xi32, #tpu.memory_space<vmem>>, vector<16xi32>,
      tpu.vector_store %arg15[%swap3A_167], %get3A_166 {strides = array<i32>} : memref<32xi32, #tpu.memory_space<vmem>>, vector<16xi32>,
      %add3A_169 = arith.constant 0 : i32
      %add3A_170 = arith.addi %mul3A_0, %add3A_169 : i32
      %get3A_171 = arith.constant 0 : i32
      %get3A_172 = arith.index_cast %get3A_171 : i32 to index
      %get3A_173 = arith.index_cast %add3A_170 : i32 to index
      %get3A_174 = tpu.vector_load %arg14[%get3A_172, %get3A_173] {strides = array<i32>} : memref<2x512xi32, #tpu.memory_space<vmem>>, vector<16xi32>,
      %swap3A_175 = arith.constant 0 : index
      %swap3A_176 = tpu.vector_load %arg16[%swap3A_175] {strides = array<i32>} : memref<32xi32, #tpu.memory_space<vmem>>, vector<16xi32>,
      tpu.vector_store %arg16[%swap3A_175], %get3A_174 {strides = array<i32>} : memref<32xi32, #tpu.memory_space<vmem>>, vector<16xi32>,
      %add3A_177 = arith.constant 16 : i32
      %add3A_178 = arith.addi %mul3A_0, %add3A_177 : i32
      %get3A_179 = arith.constant 1 : i32
      %get3A_180 = arith.index_cast %get3A_179 : i32 to index
      %get3A_181 = arith.index_cast %add3A_178 : i32 to index
      %get3A_182 = tpu.vector_load %arg14[%get3A_180, %get3A_181] {strides = array<i32>} : memref<2x512xi32, #tpu.memory_space<vmem>>, vector<16xi32>,
      %swap3A_183 = arith.constant 16 : index
      %swap3A_184 = tpu.vector_load %arg15[%swap3A_183] {strides = array<i32>} : memref<32xi32, #tpu.memory_space<vmem>>, vector<16xi32>,
      tpu.vector_store %arg15[%swap3A_183], %get3A_182 {strides = array<i32>} : memref<32xi32, #tpu.memory_space<vmem>>, vector<16xi32>,
      %add3A_185 = arith.constant 16 : i32
      %add3A_186 = arith.addi %mul3A_0, %add3A_185 : i32
      %get3A_187 = arith.constant 0 : i32
      %get3A_188 = arith.index_cast %get3A_187 : i32 to index
      %get3A_189 = arith.index_cast %add3A_186 : i32 to index
      %get3A_190 = tpu.vector_load %arg14[%get3A_188, %get3A_189] {strides = array<i32>} : memref<2x512xi32, #tpu.memory_space<vmem>>, vector<16xi32>,
      %swap3A_191 = arith.constant 16 : index
      %swap3A_192 = tpu.vector_load %arg16[%swap3A_191] {strides = array<i32>} : memref<32xi32, #tpu.memory_space<vmem>>, vector<16xi32>,
      tpu.vector_store %arg16[%swap3A_191], %get3A_190 {strides = array<i32>} : memref<32xi32, #tpu.memory_space<vmem>>, vector<16xi32>,
    } else {
    }
    %convert_element_type3A_25 = arith.extui %eq3A_1 : i1 to i32
    %cond3A_26 = arith.constant 0 : i32
    %cond3A_27 = arith.cmpi ne, %convert_element_type3A_25, %cond3A_26 : i32
    scf.if %cond3A_27 {
      %dma_start3A_162 = arith.constant 0 : i32
      %dma_start3A_163 = arith.constant 0 : i32
      %dma_start3A_164 = tpu.memref_slice %arg3[%dma_start3A_162, %dma_start3A_163] : memref<10000x128xf32, #tpu.memory_space<hbm>> -> memref<10000x128xf32, #tpu.memory_space<hbm>>
      tpu.enqueue_indirect_dma source(%dma_start3A_164 : memref<10000x128xf32, #tpu.memory_space<hbm>>) target(%arg9 : memref<32x128xf32, #tpu.memory_space<vmem>>) offsets(%arg16 : memref<32xi32, #tpu.memory_space<vmem>>) semaphore(%arg22 : memref<!tpu.dma_semaphore, #tpu.memory_space<semaphore_mem>>)
      %dma_start3A_165 = arith.constant 0 : i32
      %dma_start3A_166 = arith.constant 0 : i32
      %dma_start3A_167 = tpu.memref_slice %arg2[%dma_start3A_165, %dma_start3A_166] : memref<10000x128xf32, #tpu.memory_space<hbm>> -> memref<10000x128xf32, #tpu.memory_space<hbm>>
      tpu.enqueue_indirect_dma source(%dma_start3A_167 : memref<10000x128xf32, #tpu.memory_space<hbm>>) target(%arg12 : memref<32x128xf32, #tpu.memory_space<vmem>>) offsets(%arg15 : memref<32xi32, #tpu.memory_space<vmem>>) semaphore(%arg24 : memref<!tpu.dma_semaphore, #tpu.memory_space<semaphore_mem>>)
    } else {
    }
    %convert_element_type3A_28 = arith.extui %eq3A_3 : i1 to i32
    %cond3A_29 = arith.constant 0 : i32
    %cond3A_30 = arith.cmpi ne, %convert_element_type3A_28, %cond3A_29 : i32
    scf.if %cond3A_30 {
      %dma_start3A_162 = arith.constant 0 : i32
      %dma_start3A_163 = arith.constant 0 : i32
      %dma_start3A_164 = tpu.memref_slice %arg3[%dma_start3A_162, %dma_start3A_163] : memref<10000x128xf32, #tpu.memory_space<hbm>> -> memref<10000x128xf32, #tpu.memory_space<hbm>>
      tpu.enqueue_indirect_dma source(%dma_start3A_164 : memref<10000x128xf32, #tpu.memory_space<hbm>>) target(%arg12 : memref<32x128xf32, #tpu.memory_space<vmem>>) offsets(%arg15 : memref<32xi32, #tpu.memory_space<vmem>>) semaphore(%arg24 : memref<!tpu.dma_semaphore, #tpu.memory_space<semaphore_mem>>)
      %dma_start3A_165 = arith.constant 0 : i32
      %dma_start3A_166 = arith.constant 0 : i32
      %dma_start3A_167 = tpu.memref_slice %arg2[%dma_start3A_165, %dma_start3A_166] : memref<10000x128xf32, #tpu.memory_space<hbm>> -> memref<10000x128xf32, #tpu.memory_space<hbm>>
      tpu.enqueue_indirect_dma source(%dma_start3A_167 : memref<10000x128xf32, #tpu.memory_space<hbm>>) target(%arg9 : memref<32x128xf32, #tpu.memory_space<vmem>>) offsets(%arg16 : memref<32xi32, #tpu.memory_space<vmem>>) semaphore(%arg22 : memref<!tpu.dma_semaphore, #tpu.memory_space<semaphore_mem>>)
    } else {
    }
    %dma_start3A_31 = arith.constant 0 : i32
    %dma_start3A_32 = tpu.memref_slice %arg4[%mul3A_0, %dma_start3A_31] : memref<320000x128xf32, #tpu.memory_space<hbm>> -> memref<32x128xf32, #tpu.memory_space<hbm>>
    %dma_start3A_33 = arith.constant 0 : i32
    %dma_start3A_34 = tpu.memref_slice %arg4[%mul3A_0, %dma_start3A_33] : memref<320000x128xf32, #tpu.memory_space<hbm>> -> memref<32x128xf32, #tpu.memory_space<hbm>>
    tpu.enqueue_dma source(%dma_start3A_34 : memref<32x128xf32, #tpu.memory_space<hbm>>) target(%arg10 : memref<32x128xf32, #tpu.memory_space<vmem>>) target_semaphore(%arg22 : memref<!tpu.dma_semaphore, #tpu.memory_space<semaphore_mem>>)
    %dma_start3A_35 = arith.constant 0 : i32
    %dma_start3A_36 = arith.constant 0 : i32
    %dma_start3A_37 = tpu.memref_slice %arg8[%dma_start3A_35, %dma_start3A_36] : memref<64x128xf32, #tpu.memory_space<vmem>> -> memref<32x128xf32, #tpu.memory_space<vmem>>
    %dma_start3A_38 = arith.constant 0 : i32
    %dma_start3A_39 = arith.constant 0 : i32
    %dma_start3A_40 = tpu.memref_slice %arg19[%dma_start3A_38, %dma_start3A_39] : memref<10000x128xf32, #tpu.memory_space<vmem_shared>> -> memref<10000x128xf32, #tpu.memory_space<vmem_shared>>
    tpu.enqueue_indirect_dma source(%dma_start3A_37 : memref<32x128xf32, #tpu.memory_space<vmem>>) target(%dma_start3A_40 : memref<10000x128xf32, #tpu.memory_space<vmem_shared>>) offsets(%arg15 : memref<32xi32, #tpu.memory_space<vmem>>) semaphore(%arg23 : memref<!tpu.dma_semaphore, #tpu.memory_space<semaphore_mem>>)
    %dma_start3A_41 = arith.constant 0 : i32
    %dma_start3A_42 = arith.constant 0 : i32
    %dma_start3A_43 = tpu.memref_slice %arg8[%dma_start3A_41, %dma_start3A_42] : memref<64x128xf32, #tpu.memory_space<vmem>> -> memref<1x32xf32, #tpu.memory_space<vmem>>
    %dma_start3A_44 = tpu.memref_squeeze %dma_start3A_43 : memref<1x32xf32, #tpu.memory_space<vmem>> -> memref<32xf32, #tpu.memory_space<vmem>>
    %dma_start3A_45 = arith.constant 0 : i32
    %dma_start3A_46 = tpu.memref_slice %arg20[%dma_start3A_45] : memref<10000xf32, #tpu.memory_space<vmem_shared>> -> memref<10000xf32, #tpu.memory_space<vmem_shared>>
    tpu.enqueue_indirect_dma source(%dma_start3A_44 : memref<32xf32, #tpu.memory_space<vmem>>) target(%dma_start3A_46 : memref<10000xf32, #tpu.memory_space<vmem_shared>>) offsets(%arg15 : memref<32xi32, #tpu.memory_space<vmem>>) semaphore(%arg23 : memref<!tpu.dma_semaphore, #tpu.memory_space<semaphore_mem>>)
    %convert_element_type3A_47 = arith.extui %eq3A_1 : i1 to i32
    %cond3A_48 = arith.constant 0 : i32
    %cond3A_49 = arith.cmpi ne, %convert_element_type3A_47, %cond3A_48 : i32
    scf.if %cond3A_49 {
      %add3A_162 = arith.constant 0 : i32
      %add3A_163 = arith.addi %mul3A_15, %add3A_162 : i32
      %dma_start3A_164 = arith.constant 0 : i32
      %dma_start3A_165 = arith.constant 0 : i32
      %dma_start3A_166 = tpu.memref_slice %arg8[%dma_start3A_164, %dma_start3A_165] : memref<64x128xf32, #tpu.memory_space<vmem>> -> memref<64x128xf32, #tpu.memory_space<vmem>>
      %dma_start3A_167 = arith.constant 0 : i32
      %dma_start3A_168 = tpu.memref_slice %arg6[%add3A_163, %dma_start3A_167] : memref<10000x128xf32, #tpu.memory_space<hbm>> -> memref<64x128xf32, #tpu.memory_space<hbm>>
      %dma_start3A_169 = arith.constant 0 : i32
      %dma_start3A_170 = tpu.memref_slice %arg6[%add3A_163, %dma_start3A_169] : memref<10000x128xf32, #tpu.memory_space<hbm>> -> memref<64x128xf32, #tpu.memory_space<hbm>>
      %dma_start3A_171 = arith.constant 0 : i32
      %dma_start3A_172 = arith.constant 0 : i32
      %dma_start3A_173 = tpu.memref_slice %arg8[%dma_start3A_171, %dma_start3A_172] : memref<64x128xf32, #tpu.memory_space<vmem>> -> memref<64x128xf32, #tpu.memory_space<vmem>>
      tpu.enqueue_dma source(%dma_start3A_173 : memref<64x128xf32, #tpu.memory_space<vmem>>) target(%dma_start3A_170 : memref<64x128xf32, #tpu.memory_space<hbm>>) target_semaphore(%arg21 : memref<!tpu.dma_semaphore, #tpu.memory_space<semaphore_mem>>)
      %add3A_174 = arith.constant 64 : i32
      %add3A_175 = arith.addi %mul3A_15, %add3A_174 : i32
      %dma_start3A_176 = arith.constant 0 : i32
      %dma_start3A_177 = arith.constant 0 : i32
      %dma_start3A_178 = tpu.memref_slice %arg8[%dma_start3A_176, %dma_start3A_177] : memref<64x128xf32, #tpu.memory_space<vmem>> -> memref<64x128xf32, #tpu.memory_space<vmem>>
      %dma_start3A_179 = arith.constant 0 : i32
      %dma_start3A_180 = tpu.memref_slice %arg6[%add3A_175, %dma_start3A_179] : memref<10000x128xf32, #tpu.memory_space<hbm>> -> memref<64x128xf32, #tpu.memory_space<hbm>>
      %dma_start3A_181 = arith.constant 0 : i32
      %dma_start3A_182 = tpu.memref_slice %arg6[%add3A_175, %dma_start3A_181] : memref<10000x128xf32, #tpu.memory_space<hbm>> -> memref<64x128xf32, #tpu.memory_space<hbm>>
      %dma_start3A_183 = arith.constant 0 : i32
      %dma_start3A_184 = arith.constant 0 : i32
      %dma_start3A_185 = tpu.memref_slice %arg8[%dma_start3A_183, %dma_start3A_184] : memref<64x128xf32, #tpu.memory_space<vmem>> -> memref<64x128xf32, #tpu.memory_space<vmem>>
      tpu.enqueue_dma source(%dma_start3A_185 : memref<64x128xf32, #tpu.memory_space<vmem>>) target(%dma_start3A_182 : memref<64x128xf32, #tpu.memory_space<hbm>>) target_semaphore(%arg21 : memref<!tpu.dma_semaphore, #tpu.memory_space<semaphore_mem>>)
    } else {
    }
    %convert_element_type3A_50 = arith.extui %eq3A_3 : i1 to i32
    %cond3A_51 = arith.constant 0 : i32
    %cond3A_52 = arith.cmpi ne, %convert_element_type3A_50, %cond3A_51 : i32
    scf.if %cond3A_52 {
      %add3A_162 = arith.constant 0 : i32
      %add3A_163 = arith.addi %mul3A_15, %add3A_162 : i32
      %dma_start3A_164 = arith.constant 0 : i32
      %dma_start3A_165 = arith.constant 0 : i32
      %dma_start3A_166 = tpu.memref_slice %arg8[%dma_start3A_164, %dma_start3A_165] : memref<64x128xf32, #tpu.memory_space<vmem>> -> memref<64x128xf32, #tpu.memory_space<vmem>>
      %dma_start3A_167 = arith.constant 0 : i32
      %dma_start3A_168 = tpu.memref_slice %arg7[%add3A_163, %dma_start3A_167] : memref<10000x128xf32, #tpu.memory_space<hbm>> -> memref<64x128xf32, #tpu.memory_space<hbm>>
      %dma_start3A_169 = arith.constant 0 : i32
      %dma_start3A_170 = tpu.memref_slice %arg7[%add3A_163, %dma_start3A_169] : memref<10000x128xf32, #tpu.memory_space<hbm>> -> memref<64x128xf32, #tpu.memory_space<hbm>>
      %dma_start3A_171 = arith.constant 0 : i32
      %dma_start3A_172 = arith.constant 0 : i32
      %dma_start3A_173 = tpu.memref_slice %arg8[%dma_start3A_171, %dma_start3A_172] : memref<64x128xf32, #tpu.memory_space<vmem>> -> memref<64x128xf32, #tpu.memory_space<vmem>>
      tpu.enqueue_dma source(%dma_start3A_173 : memref<64x128xf32, #tpu.memory_space<vmem>>) target(%dma_start3A_170 : memref<64x128xf32, #tpu.memory_space<hbm>>) target_semaphore(%arg21 : memref<!tpu.dma_semaphore, #tpu.memory_space<semaphore_mem>>)
      %add3A_174 = arith.constant 64 : i32
      %add3A_175 = arith.addi %mul3A_15, %add3A_174 : i32
      %dma_start3A_176 = arith.constant 0 : i32
      %dma_start3A_177 = arith.constant 0 : i32
      %dma_start3A_178 = tpu.memref_slice %arg8[%dma_start3A_176, %dma_start3A_177] : memref<64x128xf32, #tpu.memory_space<vmem>> -> memref<64x128xf32, #tpu.memory_space<vmem>>
      %dma_start3A_179 = arith.constant 0 : i32
      %dma_start3A_180 = tpu.memref_slice %arg7[%add3A_175, %dma_start3A_179] : memref<10000x128xf32, #tpu.memory_space<hbm>> -> memref<64x128xf32, #tpu.memory_space<hbm>>
      %dma_start3A_181 = arith.constant 0 : i32
      %dma_start3A_182 = tpu.memref_slice %arg7[%add3A_175, %dma_start3A_181] : memref<10000x128xf32, #tpu.memory_space<hbm>> -> memref<64x128xf32, #tpu.memory_space<hbm>>
      %dma_start3A_183 = arith.constant 0 : i32
      %dma_start3A_184 = arith.constant 0 : i32
      %dma_start3A_185 = tpu.memref_slice %arg8[%dma_start3A_183, %dma_start3A_184] : memref<64x128xf32, #tpu.memory_space<vmem>> -> memref<64x128xf32, #tpu.memory_space<vmem>>
      tpu.enqueue_dma source(%dma_start3A_185 : memref<64x128xf32, #tpu.memory_space<vmem>>) target(%dma_start3A_182 : memref<64x128xf32, #tpu.memory_space<hbm>>) target_semaphore(%arg21 : memref<!tpu.dma_semaphore, #tpu.memory_space<semaphore_mem>>)
      %add3A_186 = arith.constant 128 : i32
      %add3A_187 = arith.addi %mul3A_15, %add3A_186 : i32
      %dma_start3A_188 = arith.constant 0 : i32
      %dma_start3A_189 = arith.constant 0 : i32
      %dma_start3A_190 = tpu.memref_slice %arg8[%dma_start3A_188, %dma_start3A_189] : memref<64x128xf32, #tpu.memory_space<vmem>> -> memref<64x128xf32, #tpu.memory_space<vmem>>
      %dma_start3A_191 = arith.constant 0 : i32
      %dma_start3A_192 = tpu.memref_slice %arg7[%add3A_187, %dma_start3A_191] : memref<10000x128xf32, #tpu.memory_space<hbm>> -> memref<64x128xf32, #tpu.memory_space<hbm>>
      %dma_start3A_193 = arith.constant 0 : i32
      %dma_start3A_194 = tpu.memref_slice %arg7[%add3A_187, %dma_start3A_193] : memref<10000x128xf32, #tpu.memory_space<hbm>> -> memref<64x128xf32, #tpu.memory_space<hbm>>
      %dma_start3A_195 = arith.constant 0 : i32
      %dma_start3A_196 = arith.constant 0 : i32
      %dma_start3A_197 = tpu.memref_slice %arg8[%dma_start3A_195, %dma_start3A_196] : memref<64x128xf32, #tpu.memory_space<vmem>> -> memref<64x128xf32, #tpu.memory_space<vmem>>
      tpu.enqueue_dma source(%dma_start3A_197 : memref<64x128xf32, #tpu.memory_space<vmem>>) target(%dma_start3A_194 : memref<64x128xf32, #tpu.memory_space<hbm>>) target_semaphore(%arg21 : memref<!tpu.dma_semaphore, #tpu.memory_space<semaphore_mem>>)
    } else {
    }
    %convert_element_type3A_53 = arith.extui %eq3A_1 : i1 to i32
    %cond3A_54 = arith.constant 0 : i32
    %cond3A_55 = arith.cmpi ne, %convert_element_type3A_53, %cond3A_54 : i32
    scf.if %cond3A_55 {
      %dma_wait3A_162 = arith.constant 0 : i32
      %dma_wait3A_163 = arith.constant 0 : i32
      %dma_wait3A_164 = tpu.memref_slice %arg3[%dma_wait3A_162, %dma_wait3A_163] : memref<10000x128xf32, #tpu.memory_space<hbm>> -> memref<10000x128xf32, #tpu.memory_space<hbm>>
      tpu.wait_indirect_dma semaphore(%arg22 : memref<!tpu.dma_semaphore, #tpu.memory_space<semaphore_mem>>) src(%dma_wait3A_164 : memref<10000x128xf32, #tpu.memory_space<hbm>>) dst(%arg9 : memref<32x128xf32, #tpu.memory_space<vmem>>)
    } else {
    }
    %convert_element_type3A_56 = arith.extui %eq3A_3 : i1 to i32
    %cond3A_57 = arith.constant 0 : i32
    %cond3A_58 = arith.cmpi ne, %convert_element_type3A_56, %cond3A_57 : i32
    scf.if %cond3A_58 {
      %dma_wait3A_162 = arith.constant 0 : i32
      %dma_wait3A_163 = arith.constant 0 : i32
      %dma_wait3A_164 = tpu.memref_slice %arg9[%dma_wait3A_162, %dma_wait3A_163] : memref<32x128xf32, #tpu.memory_space<vmem>> -> memref<16x128xf32, #tpu.memory_space<vmem>>
      %dma_wait3A_165 = arith.constant 0 : i32
      %dma_wait3A_166 = tpu.memref_slice %arg16[%dma_wait3A_165] : memref<32xi32, #tpu.memory_space<vmem>> -> memref<16xi32, #tpu.memory_space<vmem>>
      %dma_wait3A_167 = arith.constant 0 : i32
      %dma_wait3A_168 = arith.constant 0 : i32
      %dma_wait3A_169 = tpu.memref_slice %arg2[%dma_wait3A_167, %dma_wait3A_168] : memref<10000x128xf32, #tpu.memory_space<hbm>> -> memref<10000x128xf32, #tpu.memory_space<hbm>>
      tpu.wait_indirect_dma semaphore(%arg22 : memref<!tpu.dma_semaphore, #tpu.memory_space<semaphore_mem>>) src(%dma_wait3A_169 : memref<10000x128xf32, #tpu.memory_space<hbm>>) dst(%dma_wait3A_164 : memref<16x128xf32, #tpu.memory_space<vmem>>)
      %dma_wait3A_170 = arith.constant 16 : i32
      %dma_wait3A_171 = arith.constant 0 : i32
      %dma_wait3A_172 = tpu.memref_slice %arg9[%dma_wait3A_170, %dma_wait3A_171] : memref<32x128xf32, #tpu.memory_space<vmem>> -> memref<16x128xf32, #tpu.memory_space<vmem>>
      %dma_wait3A_173 = arith.constant 16 : i32
      %dma_wait3A_174 = tpu.memref_slice %arg16[%dma_wait3A_173] : memref<32xi32, #tpu.memory_space<vmem>> -> memref<16xi32, #tpu.memory_space<vmem>>
      %dma_wait3A_175 = arith.constant 0 : i32
      %dma_wait3A_176 = arith.constant 0 : i32
      %dma_wait3A_177 = tpu.memref_slice %arg2[%dma_wait3A_175, %dma_wait3A_176] : memref<10000x128xf32, #tpu.memory_space<hbm>> -> memref<10000x128xf32, #tpu.memory_space<hbm>>
      tpu.wait_indirect_dma semaphore(%arg22 : memref<!tpu.dma_semaphore, #tpu.memory_space<semaphore_mem>>) src(%dma_wait3A_177 : memref<10000x128xf32, #tpu.memory_space<hbm>>) dst(%dma_wait3A_172 : memref<16x128xf32, #tpu.memory_space<vmem>>)
    } else {
    }
    %dma_wait3A_59 = arith.constant 0 : i32
    %dma_wait3A_60 = tpu.memref_slice %arg4[%mul3A_0, %dma_wait3A_59] : memref<320000x128xf32, #tpu.memory_space<hbm>> -> memref<32x128xf32, #tpu.memory_space<hbm>>
    %dma_wait3A_61 = arith.constant 0 : i32
    %dma_wait3A_62 = tpu.memref_slice %arg4[%mul3A_0, %dma_wait3A_61] : memref<320000x128xf32, #tpu.memory_space<hbm>> -> memref<32x128xf32, #tpu.memory_space<hbm>>
    tpu.wait_dma2 semaphore(%arg22 : memref<!tpu.dma_semaphore, #tpu.memory_space<semaphore_mem>>) src(%dma_wait3A_62 : memref<32x128xf32, #tpu.memory_space<hbm>>) dst(%arg10 : memref<32x128xf32, #tpu.memory_space<vmem>>)
    %dma_wait3A_63 = arith.constant 0 : i32
    %dma_wait3A_64 = arith.constant 0 : i32
    %dma_wait3A_65 = tpu.memref_slice %arg8[%dma_wait3A_63, %dma_wait3A_64] : memref<64x128xf32, #tpu.memory_space<vmem>> -> memref<32x128xf32, #tpu.memory_space<vmem>>
    %dma_wait3A_66 = arith.constant 0 : i32
    %dma_wait3A_67 = arith.constant 0 : i32
    %dma_wait3A_68 = tpu.memref_slice %arg19[%dma_wait3A_66, %dma_wait3A_67] : memref<10000x128xf32, #tpu.memory_space<vmem_shared>> -> memref<10000x128xf32, #tpu.memory_space<vmem_shared>>
    tpu.wait_indirect_dma semaphore(%arg23 : memref<!tpu.dma_semaphore, #tpu.memory_space<semaphore_mem>>) src(%dma_wait3A_65 : memref<32x128xf32, #tpu.memory_space<vmem>>) dst(%dma_wait3A_68 : memref<10000x128xf32, #tpu.memory_space<vmem_shared>>)
    %dma_wait3A_69 = arith.constant 0 : i32
    %dma_wait3A_70 = arith.constant 0 : i32
    %dma_wait3A_71 = tpu.memref_slice %arg8[%dma_wait3A_69, %dma_wait3A_70] : memref<64x128xf32, #tpu.memory_space<vmem>> -> memref<1x32xf32, #tpu.memory_space<vmem>>
    %dma_wait3A_72 = tpu.memref_squeeze %dma_wait3A_71 : memref<1x32xf32, #tpu.memory_space<vmem>> -> memref<32xf32, #tpu.memory_space<vmem>>
    %dma_wait3A_73 = arith.constant 0 : i32
    %dma_wait3A_74 = tpu.memref_slice %arg20[%dma_wait3A_73] : memref<10000xf32, #tpu.memory_space<vmem_shared>> -> memref<10000xf32, #tpu.memory_space<vmem_shared>>
    tpu.wait_indirect_dma semaphore(%arg23 : memref<!tpu.dma_semaphore, #tpu.memory_space<semaphore_mem>>) src(%dma_wait3A_72 : memref<32xf32, #tpu.memory_space<vmem>>) dst(%dma_wait3A_74 : memref<10000xf32, #tpu.memory_space<vmem_shared>>)
    %barrier3A = arith.constant 0 : index
    tpu.barrier barrier_id(%barrier3A)
    %scan3A_75 = arith.constant 0 : i32
    %scan3A_76 = arith.constant 0 : i32
    %scan3A_77 = arith.constant 32 : i32
    %scan3A_78 = arith.addi %scan3A_76, %scan3A_77 : i32
    %scan3A_79 = arith.constant 1 : i32
    scf.for %scan3A_162 = %scan3A_76 to %scan3A_78 step %scan3A_79  : i32 {
      %add3A_163 = arith.addi %mul3A_0, %scan3A_162 : i32
      %lt3A_164 = arith.constant 500 : i32
      %lt3A_165 = arith.cmpi slt, %add3A_163, %lt3A_164 : i32
      %jit3A_166 = arith.constant 1.000000e+00 : f32
      %jit3A_167 = arith.constant 0.000000e+00 : f32
      %select_n3A_168 = arith.select %lt3A_165, %jit3A_166, %jit3A_167 : f32
      %get3A = arith.index_cast %scan3A_162 : i32 to index
      %get3A_169 = arith.constant 0 : index
      %get3A_170 = tpu.vector_load %arg9[%get3A, %get3A_169] {strides = array<i32>} : memref<32x128xf32, #tpu.memory_space<vmem>>, vector<16xf32>,
      %get3A_171 = arith.index_cast %scan3A_162 : i32 to index
      %get3A_172 = arith.constant 0 : index
      %get3A_173 = tpu.vector_load %arg10[%get3A_171, %get3A_172] {strides = array<i32>} : memref<32x128xf32, #tpu.memory_space<vmem>>, vector<16xf32>,
      %mul3A_174 = arith.mulf %get3A_170, %get3A_173 : vector<16xf32>
      %mul3A_175 = vector.broadcast %select_n3A_168 : f32 to vector<16xf32>
      %mul3A_176 = arith.mulf %mul3A_174, %mul3A_175 : vector<16xf32>
      %swap3A_177 = arith.index_cast %scan3A_162 : i32 to index
      %swap3A_178 = arith.constant 0 : index
      %swap3A_179 = tpu.vector_load %arg9[%swap3A_177, %swap3A_178] {strides = array<i32>} : memref<32x128xf32, #tpu.memory_space<vmem>>, vector<16xf32>,
      tpu.vector_store %arg9[%swap3A_177, %swap3A_178], %mul3A_176 {strides = array<i32>} : memref<32x128xf32, #tpu.memory_space<vmem>>, vector<16xf32>,
      %get3A_180 = arith.index_cast %scan3A_162 : i32 to index
      %get3A_181 = arith.constant 16 : index
      %get3A_182 = tpu.vector_load %arg9[%get3A_180, %get3A_181] {strides = array<i32>} : memref<32x128xf32, #tpu.memory_space<vmem>>, vector<16xf32>,
      %get3A_183 = arith.index_cast %scan3A_162 : i32 to index
      %get3A_184 = arith.constant 16 : index
      %get3A_185 = tpu.vector_load %arg10[%get3A_183, %get3A_184] {strides = array<i32>} : memref<32x128xf32, #tpu.memory_space<vmem>>, vector<16xf32>,
      %mul3A_186 = arith.mulf %get3A_182, %get3A_185 : vector<16xf32>
      %mul3A_187 = vector.broadcast %select_n3A_168 : f32 to vector<16xf32>
      %mul3A_188 = arith.mulf %mul3A_186, %mul3A_187 : vector<16xf32>
      %swap3A_189 = arith.index_cast %scan3A_162 : i32 to index
      %swap3A_190 = arith.constant 16 : index
      %swap3A_191 = tpu.vector_load %arg9[%swap3A_189, %swap3A_190] {strides = array<i32>} : memref<32x128xf32, #tpu.memory_space<vmem>>, vector<16xf32>,
      tpu.vector_store %arg9[%swap3A_189, %swap3A_190], %mul3A_188 {strides = array<i32>} : memref<32x128xf32, #tpu.memory_space<vmem>>, vector<16xf32>,
      %get3A_192 = arith.index_cast %scan3A_162 : i32 to index
      %get3A_193 = arith.constant 32 : index
      %get3A_194 = tpu.vector_load %arg9[%get3A_192, %get3A_193] {strides = array<i32>} : memref<32x128xf32, #tpu.memory_space<vmem>>, vector<16xf32>,
      %get3A_195 = arith.index_cast %scan3A_162 : i32 to index
      %get3A_196 = arith.constant 32 : index
      %get3A_197 = tpu.vector_load %arg10[%get3A_195, %get3A_196] {strides = array<i32>} : memref<32x128xf32, #tpu.memory_space<vmem>>, vector<16xf32>,
      %mul3A_198 = arith.mulf %get3A_194, %get3A_197 : vector<16xf32>
      %mul3A_199 = vector.broadcast %select_n3A_168 : f32 to vector<16xf32>
      %mul3A_200 = arith.mulf %mul3A_198, %mul3A_199 : vector<16xf32>
      %swap3A_201 = arith.index_cast %scan3A_162 : i32 to index
      %swap3A_202 = arith.constant 32 : index
      %swap3A_203 = tpu.vector_load %arg9[%swap3A_201, %swap3A_202] {strides = array<i32>} : memref<32x128xf32, #tpu.memory_space<vmem>>, vector<16xf32>,
      tpu.vector_store %arg9[%swap3A_201, %swap3A_202], %mul3A_200 {strides = array<i32>} : memref<32x128xf32, #tpu.memory_space<vmem>>, vector<16xf32>,
      %get3A_204 = arith.index_cast %scan3A_162 : i32 to index
      %get3A_205 = arith.constant 48 : index
      %get3A_206 = tpu.vector_load %arg9[%get3A_204, %get3A_205] {strides = array<i32>} : memref<32x128xf32, #tpu.memory_space<vmem>>, vector<16xf32>,
      %get3A_207 = arith.index_cast %scan3A_162 : i32 to index
      %get3A_208 = arith.constant 48 : index
      %get3A_209 = tpu.vector_load %arg10[%get3A_207, %get3A_208] {strides = array<i32>} : memref<32x128xf32, #tpu.memory_space<vmem>>, vector<16xf32>,
      %mul3A_210 = arith.mulf %get3A_206, %get3A_209 : vector<16xf32>
      %mul3A_211 = vector.broadcast %select_n3A_168 : f32 to vector<16xf32>
      %mul3A_212 = arith.mulf %mul3A_210, %mul3A_211 : vector<16xf32>
      %swap3A_213 = arith.index_cast %scan3A_162 : i32 to index
      %swap3A_214 = arith.constant 48 : index
      %swap3A_215 = tpu.vector_load %arg9[%swap3A_213, %swap3A_214] {strides = array<i32>} : memref<32x128xf32, #tpu.memory_space<vmem>>, vector<16xf32>,
      tpu.vector_store %arg9[%swap3A_213, %swap3A_214], %mul3A_212 {strides = array<i32>} : memref<32x128xf32, #tpu.memory_space<vmem>>, vector<16xf32>,
      %get3A_216 = arith.index_cast %scan3A_162 : i32 to index
      %get3A_217 = arith.constant 64 : index
      %get3A_218 = tpu.vector_load %arg9[%get3A_216, %get3A_217] {strides = array<i32>} : memref<32x128xf32, #tpu.memory_space<vmem>>, vector<16xf32>,
      %get3A_219 = arith.index_cast %scan3A_162 : i32 to index
      %get3A_220 = arith.constant 64 : index
      %get3A_221 = tpu.vector_load %arg10[%get3A_219, %get3A_220] {strides = array<i32>} : memref<32x128xf32, #tpu.memory_space<vmem>>, vector<16xf32>,
      %mul3A_222 = arith.mulf %get3A_218, %get3A_221 : vector<16xf32>
      %mul3A_223 = vector.broadcast %select_n3A_168 : f32 to vector<16xf32>
      %mul3A_224 = arith.mulf %mul3A_222, %mul3A_223 : vector<16xf32>
      %swap3A_225 = arith.index_cast %scan3A_162 : i32 to index
      %swap3A_226 = arith.constant 64 : index
      %swap3A_227 = tpu.vector_load %arg9[%swap3A_225, %swap3A_226] {strides = array<i32>} : memref<32x128xf32, #tpu.memory_space<vmem>>, vector<16xf32>,
      tpu.vector_store %arg9[%swap3A_225, %swap3A_226], %mul3A_224 {strides = array<i32>} : memref<32x128xf32, #tpu.memory_space<vmem>>, vector<16xf32>,
      %get3A_228 = arith.index_cast %scan3A_162 : i32 to index
      %get3A_229 = arith.constant 80 : index
      %get3A_230 = tpu.vector_load %arg9[%get3A_228, %get3A_229] {strides = array<i32>} : memref<32x128xf32, #tpu.memory_space<vmem>>, vector<16xf32>,
      %get3A_231 = arith.index_cast %scan3A_162 : i32 to index
      %get3A_232 = arith.constant 80 : index
      %get3A_233 = tpu.vector_load %arg10[%get3A_231, %get3A_232] {strides = array<i32>} : memref<32x128xf32, #tpu.memory_space<vmem>>, vector<16xf32>,
      %mul3A_234 = arith.mulf %get3A_230, %get3A_233 : vector<16xf32>
      %mul3A_235 = vector.broadcast %select_n3A_168 : f32 to vector<16xf32>
      %mul3A_236 = arith.mulf %mul3A_234, %mul3A_235 : vector<16xf32>
      %swap3A_237 = arith.index_cast %scan3A_162 : i32 to index
      %swap3A_238 = arith.constant 80 : index
      %swap3A_239 = tpu.vector_load %arg9[%swap3A_237, %swap3A_238] {strides = array<i32>} : memref<32x128xf32, #tpu.memory_space<vmem>>, vector<16xf32>,
      tpu.vector_store %arg9[%swap3A_237, %swap3A_238], %mul3A_236 {strides = array<i32>} : memref<32x128xf32, #tpu.memory_space<vmem>>, vector<16xf32>,
      %get3A_240 = arith.index_cast %scan3A_162 : i32 to index
      %get3A_241 = arith.constant 96 : index
      %get3A_242 = tpu.vector_load %arg9[%get3A_240, %get3A_241] {strides = array<i32>} : memref<32x128xf32, #tpu.memory_space<vmem>>, vector<16xf32>,
      %get3A_243 = arith.index_cast %scan3A_162 : i32 to index
      %get3A_244 = arith.constant 96 : index
      %get3A_245 = tpu.vector_load %arg10[%get3A_243, %get3A_244] {strides = array<i32>} : memref<32x128xf32, #tpu.memory_space<vmem>>, vector<16xf32>,
      %mul3A_246 = arith.mulf %get3A_242, %get3A_245 : vector<16xf32>
      %mul3A_247 = vector.broadcast %select_n3A_168 : f32 to vector<16xf32>
      %mul3A_248 = arith.mulf %mul3A_246, %mul3A_247 : vector<16xf32>
      %swap3A_249 = arith.index_cast %scan3A_162 : i32 to index
      %swap3A_250 = arith.constant 96 : index
      %swap3A_251 = tpu.vector_load %arg9[%swap3A_249, %swap3A_250] {strides = array<i32>} : memref<32x128xf32, #tpu.memory_space<vmem>>, vector<16xf32>,
      tpu.vector_store %arg9[%swap3A_249, %swap3A_250], %mul3A_248 {strides = array<i32>} : memref<32x128xf32, #tpu.memory_space<vmem>>, vector<16xf32>,
      %get3A_252 = arith.index_cast %scan3A_162 : i32 to index
      %get3A_253 = arith.constant 112 : index
      %get3A_254 = tpu.vector_load %arg9[%get3A_252, %get3A_253] {strides = array<i32>} : memref<32x128xf32, #tpu.memory_space<vmem>>, vector<16xf32>,
      %get3A_255 = arith.index_cast %scan3A_162 : i32 to index
      %get3A_256 = arith.constant 112 : index
      %get3A_257 = tpu.vector_load %arg10[%get3A_255, %get3A_256] {strides = array<i32>} : memref<32x128xf32, #tpu.memory_space<vmem>>, vector<16xf32>,
      %mul3A_258 = arith.mulf %get3A_254, %get3A_257 : vector<16xf32>
      %mul3A_259 = vector.broadcast %select_n3A_168 : f32 to vector<16xf32>
      %mul3A_260 = arith.mulf %mul3A_258, %mul3A_259 : vector<16xf32>
      %swap3A_261 = arith.index_cast %scan3A_162 : i32 to index
      %swap3A_262 = arith.constant 112 : index
      %swap3A_263 = tpu.vector_load %arg9[%swap3A_261, %swap3A_262] {strides = array<i32>} : memref<32x128xf32, #tpu.memory_space<vmem>>, vector<16xf32>,
      tpu.vector_store %arg9[%swap3A_261, %swap3A_262], %mul3A_260 {strides = array<i32>} : memref<32x128xf32, #tpu.memory_space<vmem>>, vector<16xf32>,
    }
    %scan3A_80 = arith.constant 32 : i32
    %add3A = arith.constant 0 : i32
    %add3A_81 = arith.addi %mul3A_0, %add3A : i32
    %iota3A = tpu.iota {dimensions = array<i32: 0>} : vector<16xi32>
    %add3A_82 = vector.broadcast %add3A_81 : i32 to vector<16xi32>
    %add3A_83 = arith.addi %add3A_82, %iota3A : vector<16xi32>
    %lt3A = arith.constant 500 : i32
    %lt3A_84 = vector.broadcast %lt3A : i32 to vector<16xi32>
    %lt3A_85 = arith.cmpi slt, %add3A_83, %lt3A_84 : vector<16xi32>
    %jit3A = arith.constant 1.000000e+00 : f32
    %jit3A_86 = arith.constant 0.000000e+00 : f32
    %broadcast_in_dim3A = vector.broadcast %jit3A : f32 to vector<16xf32>
    %broadcast_in_dim3A_87 = vector.broadcast %jit3A_86 : f32 to vector<16xf32>
    %select_n3A = arith.select %lt3A_85, %broadcast_in_dim3A, %broadcast_in_dim3A_87 : vector<16xi1>, vector<16xf32>
    %swap3A = arith.constant 0 : index
    %swap3A_88 = tpu.vector_load %arg18[%swap3A] {strides = array<i32>} : memref<32xf32, #tpu.memory_space<vmem>>, vector<16xf32>,
    tpu.vector_store %arg18[%swap3A], %select_n3A {strides = array<i32>} : memref<32xf32, #tpu.memory_space<vmem>>, vector<16xf32>,
    %add3A_89 = arith.constant 16 : i32
    %add3A_90 = arith.addi %mul3A_0, %add3A_89 : i32
    %iota3A_91 = tpu.iota {dimensions = array<i32: 0>} : vector<16xi32>
    %add3A_92 = vector.broadcast %add3A_90 : i32 to vector<16xi32>
    %add3A_93 = arith.addi %add3A_92, %iota3A_91 : vector<16xi32>
    %lt3A_94 = arith.constant 500 : i32
    %lt3A_95 = vector.broadcast %lt3A_94 : i32 to vector<16xi32>
    %lt3A_96 = arith.cmpi slt, %add3A_93, %lt3A_95 : vector<16xi32>
    %jit3A_97 = arith.constant 1.000000e+00 : f32
    %jit3A_98 = arith.constant 0.000000e+00 : f32
    %broadcast_in_dim3A_99 = vector.broadcast %jit3A_97 : f32 to vector<16xf32>
    %broadcast_in_dim3A_100 = vector.broadcast %jit3A_98 : f32 to vector<16xf32>
    %select_n3A_101 = arith.select %lt3A_96, %broadcast_in_dim3A_99, %broadcast_in_dim3A_100 : vector<16xi1>, vector<16xf32>
    %swap3A_102 = arith.constant 16 : index
    %swap3A_103 = tpu.vector_load %arg18[%swap3A_102] {strides = array<i32>} : memref<32xf32, #tpu.memory_space<vmem>>, vector<16xf32>,
    tpu.vector_store %arg18[%swap3A_102], %select_n3A_101 {strides = array<i32>} : memref<32xf32, #tpu.memory_space<vmem>>, vector<16xf32>,
    %dma_start3A_104 = arith.constant 0 : i32
    %dma_start3A_105 = arith.constant 0 : i32
    %dma_start3A_106 = tpu.memref_slice %arg19[%dma_start3A_104, %dma_start3A_105] : memref<10000x128xf32, #tpu.memory_space<vmem_shared>> -> memref<10000x128xf32, #tpu.memory_space<vmem_shared>>
    tpu.enqueue_indirect_dma source(%arg9 : memref<32x128xf32, #tpu.memory_space<vmem>>) target(%dma_start3A_106 : memref<10000x128xf32, #tpu.memory_space<vmem_shared>>) offsets(%arg15 : memref<32xi32, #tpu.memory_space<vmem>>) semaphore(%arg23 : memref<!tpu.dma_semaphore, #tpu.memory_space<semaphore_mem>>) {add = true}
    %dma_start3A_107 = arith.constant 0 : i32
    %dma_start3A_108 = tpu.memref_slice %arg20[%dma_start3A_107] : memref<10000xf32, #tpu.memory_space<vmem_shared>> -> memref<10000xf32, #tpu.memory_space<vmem_shared>>
    tpu.enqueue_indirect_dma source(%arg18 : memref<32xf32, #tpu.memory_space<vmem>>) target(%dma_start3A_108 : memref<10000xf32, #tpu.memory_space<vmem_shared>>) offsets(%arg15 : memref<32xi32, #tpu.memory_space<vmem>>) semaphore(%arg23 : memref<!tpu.dma_semaphore, #tpu.memory_space<semaphore_mem>>) {add = true}
    %convert_element_type3A_109 = arith.extui %eq3A_1 : i1 to i32
    %cond3A_110 = arith.constant 0 : i32
    %cond3A_111 = arith.cmpi ne, %convert_element_type3A_109, %cond3A_110 : i32
    scf.if %cond3A_111 {
      %add3A_162 = arith.constant 128 : i32
      %add3A_163 = arith.addi %mul3A_15, %add3A_162 : i32
      %dma_start3A_164 = arith.constant 0 : i32
      %dma_start3A_165 = arith.constant 0 : i32
      %dma_start3A_166 = tpu.memref_slice %arg8[%dma_start3A_164, %dma_start3A_165] : memref<64x128xf32, #tpu.memory_space<vmem>> -> memref<64x128xf32, #tpu.memory_space<vmem>>
      %dma_start3A_167 = arith.constant 0 : i32
      %dma_start3A_168 = tpu.memref_slice %arg6[%add3A_163, %dma_start3A_167] : memref<10000x128xf32, #tpu.memory_space<hbm>> -> memref<64x128xf32, #tpu.memory_space<hbm>>
      %dma_start3A_169 = arith.constant 0 : i32
      %dma_start3A_170 = tpu.memref_slice %arg6[%add3A_163, %dma_start3A_169] : memref<10000x128xf32, #tpu.memory_space<hbm>> -> memref<64x128xf32, #tpu.memory_space<hbm>>
      %dma_start3A_171 = arith.constant 0 : i32
      %dma_start3A_172 = arith.constant 0 : i32
      %dma_start3A_173 = tpu.memref_slice %arg8[%dma_start3A_171, %dma_start3A_172] : memref<64x128xf32, #tpu.memory_space<vmem>> -> memref<64x128xf32, #tpu.memory_space<vmem>>
      tpu.enqueue_dma source(%dma_start3A_173 : memref<64x128xf32, #tpu.memory_space<vmem>>) target(%dma_start3A_170 : memref<64x128xf32, #tpu.memory_space<hbm>>) target_semaphore(%arg21 : memref<!tpu.dma_semaphore, #tpu.memory_space<semaphore_mem>>)
      %add3A_174 = arith.constant 192 : i32
      %add3A_175 = arith.addi %mul3A_15, %add3A_174 : i32
      %dma_start3A_176 = arith.constant 0 : i32
      %dma_start3A_177 = arith.constant 0 : i32
      %dma_start3A_178 = tpu.memref_slice %arg8[%dma_start3A_176, %dma_start3A_177] : memref<64x128xf32, #tpu.memory_space<vmem>> -> memref<64x128xf32, #tpu.memory_space<vmem>>
      %dma_start3A_179 = arith.constant 0 : i32
      %dma_start3A_180 = tpu.memref_slice %arg6[%add3A_175, %dma_start3A_179] : memref<10000x128xf32, #tpu.memory_space<hbm>> -> memref<64x128xf32, #tpu.memory_space<hbm>>
      %dma_start3A_181 = arith.constant 0 : i32
      %dma_start3A_182 = tpu.memref_slice %arg6[%add3A_175, %dma_start3A_181] : memref<10000x128xf32, #tpu.memory_space<hbm>> -> memref<64x128xf32, #tpu.memory_space<hbm>>
      %dma_start3A_183 = arith.constant 0 : i32
      %dma_start3A_184 = arith.constant 0 : i32
      %dma_start3A_185 = tpu.memref_slice %arg8[%dma_start3A_183, %dma_start3A_184] : memref<64x128xf32, #tpu.memory_space<vmem>> -> memref<64x128xf32, #tpu.memory_space<vmem>>
      tpu.enqueue_dma source(%dma_start3A_185 : memref<64x128xf32, #tpu.memory_space<vmem>>) target(%dma_start3A_182 : memref<64x128xf32, #tpu.memory_space<hbm>>) target_semaphore(%arg21 : memref<!tpu.dma_semaphore, #tpu.memory_space<semaphore_mem>>)
      %add3A_186 = arith.constant 256 : i32
      %add3A_187 = arith.addi %mul3A_15, %add3A_186 : i32
      %dma_start3A_188 = arith.constant 0 : i32
      %dma_start3A_189 = arith.constant 0 : i32
      %dma_start3A_190 = tpu.memref_slice %arg8[%dma_start3A_188, %dma_start3A_189] : memref<64x128xf32, #tpu.memory_space<vmem>> -> memref<64x128xf32, #tpu.memory_space<vmem>>
      %dma_start3A_191 = arith.constant 0 : i32
      %dma_start3A_192 = tpu.memref_slice %arg6[%add3A_187, %dma_start3A_191] : memref<10000x128xf32, #tpu.memory_space<hbm>> -> memref<64x128xf32, #tpu.memory_space<hbm>>
      %dma_start3A_193 = arith.constant 0 : i32
      %dma_start3A_194 = tpu.memref_slice %arg6[%add3A_187, %dma_start3A_193] : memref<10000x128xf32, #tpu.memory_space<hbm>> -> memref<64x128xf32, #tpu.memory_space<hbm>>
      %dma_start3A_195 = arith.constant 0 : i32
      %dma_start3A_196 = arith.constant 0 : i32
      %dma_start3A_197 = tpu.memref_slice %arg8[%dma_start3A_195, %dma_start3A_196] : memref<64x128xf32, #tpu.memory_space<vmem>> -> memref<64x128xf32, #tpu.memory_space<vmem>>
      tpu.enqueue_dma source(%dma_start3A_197 : memref<64x128xf32, #tpu.memory_space<vmem>>) target(%dma_start3A_194 : memref<64x128xf32, #tpu.memory_space<hbm>>) target_semaphore(%arg21 : memref<!tpu.dma_semaphore, #tpu.memory_space<semaphore_mem>>)
      %add3A_198 = arith.constant 320 : i32
      %add3A_199 = arith.addi %mul3A_15, %add3A_198 : i32
      %dma_start3A_200 = arith.constant 0 : i32
      %dma_start3A_201 = arith.constant 0 : i32
      %dma_start3A_202 = tpu.memref_slice %arg8[%dma_start3A_200, %dma_start3A_201] : memref<64x128xf32, #tpu.memory_space<vmem>> -> memref<64x128xf32, #tpu.memory_space<vmem>>
      %dma_start3A_203 = arith.constant 0 : i32
      %dma_start3A_204 = tpu.memref_slice %arg6[%add3A_199, %dma_start3A_203] : memref<10000x128xf32, #tpu.memory_space<hbm>> -> memref<64x128xf32, #tpu.memory_space<hbm>>
      %dma_start3A_205 = arith.constant 0 : i32
      %dma_start3A_206 = tpu.memref_slice %arg6[%add3A_199, %dma_start3A_205] : memref<10000x128xf32, #tpu.memory_space<hbm>> -> memref<64x128xf32, #tpu.memory_space<hbm>>
      %dma_start3A_207 = arith.constant 0 : i32
      %dma_start3A_208 = arith.constant 0 : i32
      %dma_start3A_209 = tpu.memref_slice %arg8[%dma_start3A_207, %dma_start3A_208] : memref<64x128xf32, #tpu.memory_space<vmem>> -> memref<64x128xf32, #tpu.memory_space<vmem>>
      tpu.enqueue_dma source(%dma_start3A_209 : memref<64x128xf32, #tpu.memory_space<vmem>>) target(%dma_start3A_206 : memref<64x128xf32, #tpu.memory_space<hbm>>) target_semaphore(%arg21 : memref<!tpu.dma_semaphore, #tpu.memory_space<semaphore_mem>>)
    } else {
    }
    %convert_element_type3A_112 = arith.extui %eq3A_3 : i1 to i32
    %cond3A_113 = arith.constant 0 : i32
    %cond3A_114 = arith.cmpi ne, %convert_element_type3A_112, %cond3A_113 : i32
    scf.if %cond3A_114 {
      %add3A_162 = arith.constant 192 : i32
      %add3A_163 = arith.addi %mul3A_15, %add3A_162 : i32
      %dma_start3A_164 = arith.constant 0 : i32
      %dma_start3A_165 = arith.constant 0 : i32
      %dma_start3A_166 = tpu.memref_slice %arg8[%dma_start3A_164, %dma_start3A_165] : memref<64x128xf32, #tpu.memory_space<vmem>> -> memref<64x128xf32, #tpu.memory_space<vmem>>
      %dma_start3A_167 = arith.constant 0 : i32
      %dma_start3A_168 = tpu.memref_slice %arg7[%add3A_163, %dma_start3A_167] : memref<10000x128xf32, #tpu.memory_space<hbm>> -> memref<64x128xf32, #tpu.memory_space<hbm>>
      %dma_start3A_169 = arith.constant 0 : i32
      %dma_start3A_170 = tpu.memref_slice %arg7[%add3A_163, %dma_start3A_169] : memref<10000x128xf32, #tpu.memory_space<hbm>> -> memref<64x128xf32, #tpu.memory_space<hbm>>
      %dma_start3A_171 = arith.constant 0 : i32
      %dma_start3A_172 = arith.constant 0 : i32
      %dma_start3A_173 = tpu.memref_slice %arg8[%dma_start3A_171, %dma_start3A_172] : memref<64x128xf32, #tpu.memory_space<vmem>> -> memref<64x128xf32, #tpu.memory_space<vmem>>
      tpu.enqueue_dma source(%dma_start3A_173 : memref<64x128xf32, #tpu.memory_space<vmem>>) target(%dma_start3A_170 : memref<64x128xf32, #tpu.memory_space<hbm>>) target_semaphore(%arg21 : memref<!tpu.dma_semaphore, #tpu.memory_space<semaphore_mem>>)
      %add3A_174 = arith.constant 256 : i32
      %add3A_175 = arith.addi %mul3A_15, %add3A_174 : i32
      %dma_start3A_176 = arith.constant 0 : i32
      %dma_start3A_177 = arith.constant 0 : i32
      %dma_start3A_178 = tpu.memref_slice %arg8[%dma_start3A_176, %dma_start3A_177] : memref<64x128xf32, #tpu.memory_space<vmem>> -> memref<64x128xf32, #tpu.memory_space<vmem>>
      %dma_start3A_179 = arith.constant 0 : i32
      %dma_start3A_180 = tpu.memref_slice %arg7[%add3A_175, %dma_start3A_179] : memref<10000x128xf32, #tpu.memory_space<hbm>> -> memref<64x128xf32, #tpu.memory_space<hbm>>
      %dma_start3A_181 = arith.constant 0 : i32
      %dma_start3A_182 = tpu.memref_slice %arg7[%add3A_175, %dma_start3A_181] : memref<10000x128xf32, #tpu.memory_space<hbm>> -> memref<64x128xf32, #tpu.memory_space<hbm>>
      %dma_start3A_183 = arith.constant 0 : i32
      %dma_start3A_184 = arith.constant 0 : i32
      %dma_start3A_185 = tpu.memref_slice %arg8[%dma_start3A_183, %dma_start3A_184] : memref<64x128xf32, #tpu.memory_space<vmem>> -> memref<64x128xf32, #tpu.memory_space<vmem>>
      tpu.enqueue_dma source(%dma_start3A_185 : memref<64x128xf32, #tpu.memory_space<vmem>>) target(%dma_start3A_182 : memref<64x128xf32, #tpu.memory_space<hbm>>) target_semaphore(%arg21 : memref<!tpu.dma_semaphore, #tpu.memory_space<semaphore_mem>>)
      %add3A_186 = arith.constant 320 : i32
      %add3A_187 = arith.addi %mul3A_15, %add3A_186 : i32
      %dma_start3A_188 = arith.constant 0 : i32
      %dma_start3A_189 = arith.constant 0 : i32
      %dma_start3A_190 = tpu.memref_slice %arg8[%dma_start3A_188, %dma_start3A_189] : memref<64x128xf32, #tpu.memory_space<vmem>> -> memref<64x128xf32, #tpu.memory_space<vmem>>
      %dma_start3A_191 = arith.constant 0 : i32
      %dma_start3A_192 = tpu.memref_slice %arg7[%add3A_187, %dma_start3A_191] : memref<10000x128xf32, #tpu.memory_space<hbm>> -> memref<64x128xf32, #tpu.memory_space<hbm>>
      %dma_start3A_193 = arith.constant 0 : i32
      %dma_start3A_194 = tpu.memref_slice %arg7[%add3A_187, %dma_start3A_193] : memref<10000x128xf32, #tpu.memory_space<hbm>> -> memref<64x128xf32, #tpu.memory_space<hbm>>
      %dma_start3A_195 = arith.constant 0 : i32
      %dma_start3A_196 = arith.constant 0 : i32
      %dma_start3A_197 = tpu.memref_slice %arg8[%dma_start3A_195, %dma_start3A_196] : memref<64x128xf32, #tpu.memory_space<vmem>> -> memref<64x128xf32, #tpu.memory_space<vmem>>
      tpu.enqueue_dma source(%dma_start3A_197 : memref<64x128xf32, #tpu.memory_space<vmem>>) target(%dma_start3A_194 : memref<64x128xf32, #tpu.memory_space<hbm>>) target_semaphore(%arg21 : memref<!tpu.dma_semaphore, #tpu.memory_space<semaphore_mem>>)
      %add3A_198 = arith.constant 384 : i32
      %add3A_199 = arith.addi %mul3A_15, %add3A_198 : i32
      %dma_start3A_200 = arith.constant 0 : i32
      %dma_start3A_201 = arith.constant 0 : i32
      %dma_start3A_202 = tpu.memref_slice %arg8[%dma_start3A_200, %dma_start3A_201] : memref<64x128xf32, #tpu.memory_space<vmem>> -> memref<64x128xf32, #tpu.memory_space<vmem>>
      %dma_start3A_203 = arith.constant 0 : i32
      %dma_start3A_204 = tpu.memref_slice %arg7[%add3A_199, %dma_start3A_203] : memref<10000x128xf32, #tpu.memory_space<hbm>> -> memref<64x128xf32, #tpu.memory_space<hbm>>
      %dma_start3A_205 = arith.constant 0 : i32
      %dma_start3A_206 = tpu.memref_slice %arg7[%add3A_199, %dma_start3A_205] : memref<10000x128xf32, #tpu.memory_space<hbm>> -> memref<64x128xf32, #tpu.memory_space<hbm>>
      %dma_start3A_207 = arith.constant 0 : i32
      %dma_start3A_208 = arith.constant 0 : i32
      %dma_start3A_209 = tpu.memref_slice %arg8[%dma_start3A_207, %dma_start3A_208] : memref<64x128xf32, #tpu.memory_space<vmem>> -> memref<64x128xf32, #tpu.memory_space<vmem>>
      tpu.enqueue_dma source(%dma_start3A_209 : memref<64x128xf32, #tpu.memory_space<vmem>>) target(%dma_start3A_206 : memref<64x128xf32, #tpu.memory_space<hbm>>) target_semaphore(%arg21 : memref<!tpu.dma_semaphore, #tpu.memory_space<semaphore_mem>>)
    } else {
    }
    %dma_wait3A_115 = arith.constant 0 : i32
    %dma_wait3A_116 = arith.constant 0 : i32
    %dma_wait3A_117 = tpu.memref_slice %arg19[%dma_wait3A_115, %dma_wait3A_116] : memref<10000x128xf32, #tpu.memory_space<vmem_shared>> -> memref<10000x128xf32, #tpu.memory_space<vmem_shared>>
    tpu.wait_indirect_dma semaphore(%arg23 : memref<!tpu.dma_semaphore, #tpu.memory_space<semaphore_mem>>) src(%arg9 : memref<32x128xf32, #tpu.memory_space<vmem>>) dst(%dma_wait3A_117 : memref<10000x128xf32, #tpu.memory_space<vmem_shared>>)
    %dma_wait3A_118 = arith.constant 0 : i32
    %dma_wait3A_119 = tpu.memref_slice %arg20[%dma_wait3A_118] : memref<10000xf32, #tpu.memory_space<vmem_shared>> -> memref<10000xf32, #tpu.memory_space<vmem_shared>>
    tpu.wait_indirect_dma semaphore(%arg23 : memref<!tpu.dma_semaphore, #tpu.memory_space<semaphore_mem>>) src(%arg18 : memref<32xf32, #tpu.memory_space<vmem>>) dst(%dma_wait3A_119 : memref<10000xf32, #tpu.memory_space<vmem_shared>>)
    %barrier3A_120 = arith.constant 0 : index
    tpu.barrier barrier_id(%barrier3A_120)
    %dma_start3A_121 = arith.constant 0 : i32
    %dma_start3A_122 = arith.constant 0 : i32
    %dma_start3A_123 = tpu.memref_slice %arg19[%dma_start3A_121, %dma_start3A_122] : memref<10000x128xf32, #tpu.memory_space<vmem_shared>> -> memref<10000x128xf32, #tpu.memory_space<vmem_shared>>
    tpu.enqueue_indirect_dma source(%dma_start3A_123 : memref<10000x128xf32, #tpu.memory_space<vmem_shared>>) target(%arg11 : memref<32x128xf32, #tpu.memory_space<vmem>>) offsets(%arg15 : memref<32xi32, #tpu.memory_space<vmem>>) semaphore(%arg22 : memref<!tpu.dma_semaphore, #tpu.memory_space<semaphore_mem>>)
    %dma_start3A_124 = arith.constant 0 : i32
    %dma_start3A_125 = tpu.memref_slice %arg20[%dma_start3A_124] : memref<10000xf32, #tpu.memory_space<vmem_shared>> -> memref<10000xf32, #tpu.memory_space<vmem_shared>>
    tpu.enqueue_indirect_dma source(%dma_start3A_125 : memref<10000xf32, #tpu.memory_space<vmem_shared>>) target(%arg17 : memref<32xf32, #tpu.memory_space<vmem>>) offsets(%arg15 : memref<32xi32, #tpu.memory_space<vmem>>) semaphore(%arg22 : memref<!tpu.dma_semaphore, #tpu.memory_space<semaphore_mem>>)
    %convert_element_type3A_126 = arith.extui %eq3A_1 : i1 to i32
    %cond3A_127 = arith.constant 0 : i32
    %cond3A_128 = arith.cmpi ne, %convert_element_type3A_126, %cond3A_127 : i32
    scf.if %cond3A_128 {
      %add3A_162 = arith.constant 384 : i32
      %add3A_163 = arith.addi %mul3A_15, %add3A_162 : i32
      %dma_start3A_164 = arith.constant 0 : i32
      %dma_start3A_165 = arith.constant 0 : i32
      %dma_start3A_166 = tpu.memref_slice %arg8[%dma_start3A_164, %dma_start3A_165] : memref<64x128xf32, #tpu.memory_space<vmem>> -> memref<64x128xf32, #tpu.memory_space<vmem>>
      %dma_start3A_167 = arith.constant 0 : i32
      %dma_start3A_168 = tpu.memref_slice %arg6[%add3A_163, %dma_start3A_167] : memref<10000x128xf32, #tpu.memory_space<hbm>> -> memref<64x128xf32, #tpu.memory_space<hbm>>
      %dma_start3A_169 = arith.constant 0 : i32
      %dma_start3A_170 = tpu.memref_slice %arg6[%add3A_163, %dma_start3A_169] : memref<10000x128xf32, #tpu.memory_space<hbm>> -> memref<64x128xf32, #tpu.memory_space<hbm>>
      %dma_start3A_171 = arith.constant 0 : i32
      %dma_start3A_172 = arith.constant 0 : i32
      %dma_start3A_173 = tpu.memref_slice %arg8[%dma_start3A_171, %dma_start3A_172] : memref<64x128xf32, #tpu.memory_space<vmem>> -> memref<64x128xf32, #tpu.memory_space<vmem>>
      tpu.enqueue_dma source(%dma_start3A_173 : memref<64x128xf32, #tpu.memory_space<vmem>>) target(%dma_start3A_170 : memref<64x128xf32, #tpu.memory_space<hbm>>) target_semaphore(%arg21 : memref<!tpu.dma_semaphore, #tpu.memory_space<semaphore_mem>>)
      %add3A_174 = arith.constant 448 : i32
      %add3A_175 = arith.addi %mul3A_15, %add3A_174 : i32
      %dma_start3A_176 = arith.constant 0 : i32
      %dma_start3A_177 = arith.constant 0 : i32
      %dma_start3A_178 = tpu.memref_slice %arg8[%dma_start3A_176, %dma_start3A_177] : memref<64x128xf32, #tpu.memory_space<vmem>> -> memref<64x128xf32, #tpu.memory_space<vmem>>
      %dma_start3A_179 = arith.constant 0 : i32
      %dma_start3A_180 = tpu.memref_slice %arg6[%add3A_175, %dma_start3A_179] : memref<10000x128xf32, #tpu.memory_space<hbm>> -> memref<64x128xf32, #tpu.memory_space<hbm>>
      %dma_start3A_181 = arith.constant 0 : i32
      %dma_start3A_182 = tpu.memref_slice %arg6[%add3A_175, %dma_start3A_181] : memref<10000x128xf32, #tpu.memory_space<hbm>> -> memref<64x128xf32, #tpu.memory_space<hbm>>
      %dma_start3A_183 = arith.constant 0 : i32
      %dma_start3A_184 = arith.constant 0 : i32
      %dma_start3A_185 = tpu.memref_slice %arg8[%dma_start3A_183, %dma_start3A_184] : memref<64x128xf32, #tpu.memory_space<vmem>> -> memref<64x128xf32, #tpu.memory_space<vmem>>
      tpu.enqueue_dma source(%dma_start3A_185 : memref<64x128xf32, #tpu.memory_space<vmem>>) target(%dma_start3A_182 : memref<64x128xf32, #tpu.memory_space<hbm>>) target_semaphore(%arg21 : memref<!tpu.dma_semaphore, #tpu.memory_space<semaphore_mem>>)
      %add3A_186 = arith.constant 512 : i32
      %add3A_187 = arith.addi %mul3A_15, %add3A_186 : i32
      %dma_start3A_188 = arith.constant 0 : i32
      %dma_start3A_189 = arith.constant 0 : i32
      %dma_start3A_190 = tpu.memref_slice %arg8[%dma_start3A_188, %dma_start3A_189] : memref<64x128xf32, #tpu.memory_space<vmem>> -> memref<64x128xf32, #tpu.memory_space<vmem>>
      %dma_start3A_191 = arith.constant 0 : i32
      %dma_start3A_192 = tpu.memref_slice %arg6[%add3A_187, %dma_start3A_191] : memref<10000x128xf32, #tpu.memory_space<hbm>> -> memref<64x128xf32, #tpu.memory_space<hbm>>
      %dma_start3A_193 = arith.constant 0 : i32
      %dma_start3A_194 = tpu.memref_slice %arg6[%add3A_187, %dma_start3A_193] : memref<10000x128xf32, #tpu.memory_space<hbm>> -> memref<64x128xf32, #tpu.memory_space<hbm>>
      %dma_start3A_195 = arith.constant 0 : i32
      %dma_start3A_196 = arith.constant 0 : i32
      %dma_start3A_197 = tpu.memref_slice %arg8[%dma_start3A_195, %dma_start3A_196] : memref<64x128xf32, #tpu.memory_space<vmem>> -> memref<64x128xf32, #tpu.memory_space<vmem>>
      tpu.enqueue_dma source(%dma_start3A_197 : memref<64x128xf32, #tpu.memory_space<vmem>>) target(%dma_start3A_194 : memref<64x128xf32, #tpu.memory_space<hbm>>) target_semaphore(%arg21 : memref<!tpu.dma_semaphore, #tpu.memory_space<semaphore_mem>>)
      %add3A_198 = arith.constant 576 : i32
      %add3A_199 = arith.addi %mul3A_15, %add3A_198 : i32
      %dma_start3A_200 = arith.constant 0 : i32
      %dma_start3A_201 = arith.constant 0 : i32
      %dma_start3A_202 = tpu.memref_slice %arg8[%dma_start3A_200, %dma_start3A_201] : memref<64x128xf32, #tpu.memory_space<vmem>> -> memref<64x128xf32, #tpu.memory_space<vmem>>
      %dma_start3A_203 = arith.constant 0 : i32
      %dma_start3A_204 = tpu.memref_slice %arg6[%add3A_199, %dma_start3A_203] : memref<10000x128xf32, #tpu.memory_space<hbm>> -> memref<64x128xf32, #tpu.memory_space<hbm>>
      %dma_start3A_205 = arith.constant 0 : i32
      %dma_start3A_206 = tpu.memref_slice %arg6[%add3A_199, %dma_start3A_205] : memref<10000x128xf32, #tpu.memory_space<hbm>> -> memref<64x128xf32, #tpu.memory_space<hbm>>
      %dma_start3A_207 = arith.constant 0 : i32
      %dma_start3A_208 = arith.constant 0 : i32
      %dma_start3A_209 = tpu.memref_slice %arg8[%dma_start3A_207, %dma_start3A_208] : memref<64x128xf32, #tpu.memory_space<vmem>> -> memref<64x128xf32, #tpu.memory_space<vmem>>
      tpu.enqueue_dma source(%dma_start3A_209 : memref<64x128xf32, #tpu.memory_space<vmem>>) target(%dma_start3A_206 : memref<64x128xf32, #tpu.memory_space<hbm>>) target_semaphore(%arg21 : memref<!tpu.dma_semaphore, #tpu.memory_space<semaphore_mem>>)
    } else {
    }
    %convert_element_type3A_129 = arith.extui %eq3A_3 : i1 to i32
    %cond3A_130 = arith.constant 0 : i32
    %cond3A_131 = arith.cmpi ne, %convert_element_type3A_129, %cond3A_130 : i32
    scf.if %cond3A_131 {
      %add3A_162 = arith.constant 448 : i32
      %add3A_163 = arith.addi %mul3A_15, %add3A_162 : i32
      %dma_start3A_164 = arith.constant 0 : i32
      %dma_start3A_165 = arith.constant 0 : i32
      %dma_start3A_166 = tpu.memref_slice %arg8[%dma_start3A_164, %dma_start3A_165] : memref<64x128xf32, #tpu.memory_space<vmem>> -> memref<64x128xf32, #tpu.memory_space<vmem>>
      %dma_start3A_167 = arith.constant 0 : i32
      %dma_start3A_168 = tpu.memref_slice %arg7[%add3A_163, %dma_start3A_167] : memref<10000x128xf32, #tpu.memory_space<hbm>> -> memref<64x128xf32, #tpu.memory_space<hbm>>
      %dma_start3A_169 = arith.constant 0 : i32
      %dma_start3A_170 = tpu.memref_slice %arg7[%add3A_163, %dma_start3A_169] : memref<10000x128xf32, #tpu.memory_space<hbm>> -> memref<64x128xf32, #tpu.memory_space<hbm>>
      %dma_start3A_171 = arith.constant 0 : i32
      %dma_start3A_172 = arith.constant 0 : i32
      %dma_start3A_173 = tpu.memref_slice %arg8[%dma_start3A_171, %dma_start3A_172] : memref<64x128xf32, #tpu.memory_space<vmem>> -> memref<64x128xf32, #tpu.memory_space<vmem>>
      tpu.enqueue_dma source(%dma_start3A_173 : memref<64x128xf32, #tpu.memory_space<vmem>>) target(%dma_start3A_170 : memref<64x128xf32, #tpu.memory_space<hbm>>) target_semaphore(%arg21 : memref<!tpu.dma_semaphore, #tpu.memory_space<semaphore_mem>>)
      %add3A_174 = arith.constant 512 : i32
      %add3A_175 = arith.addi %mul3A_15, %add3A_174 : i32
      %dma_start3A_176 = arith.constant 0 : i32
      %dma_start3A_177 = arith.constant 0 : i32
      %dma_start3A_178 = tpu.memref_slice %arg8[%dma_start3A_176, %dma_start3A_177] : memref<64x128xf32, #tpu.memory_space<vmem>> -> memref<64x128xf32, #tpu.memory_space<vmem>>
      %dma_start3A_179 = arith.constant 0 : i32
      %dma_start3A_180 = tpu.memref_slice %arg7[%add3A_175, %dma_start3A_179] : memref<10000x128xf32, #tpu.memory_space<hbm>> -> memref<64x128xf32, #tpu.memory_space<hbm>>
      %dma_start3A_181 = arith.constant 0 : i32
      %dma_start3A_182 = tpu.memref_slice %arg7[%add3A_175, %dma_start3A_181] : memref<10000x128xf32, #tpu.memory_space<hbm>> -> memref<64x128xf32, #tpu.memory_space<hbm>>
      %dma_start3A_183 = arith.constant 0 : i32
      %dma_start3A_184 = arith.constant 0 : i32
      %dma_start3A_185 = tpu.memref_slice %arg8[%dma_start3A_183, %dma_start3A_184] : memref<64x128xf32, #tpu.memory_space<vmem>> -> memref<64x128xf32, #tpu.memory_space<vmem>>
      tpu.enqueue_dma source(%dma_start3A_185 : memref<64x128xf32, #tpu.memory_space<vmem>>) target(%dma_start3A_182 : memref<64x128xf32, #tpu.memory_space<hbm>>) target_semaphore(%arg21 : memref<!tpu.dma_semaphore, #tpu.memory_space<semaphore_mem>>)
      %add3A_186 = arith.constant 576 : i32
      %add3A_187 = arith.addi %mul3A_15, %add3A_186 : i32
      %dma_start3A_188 = arith.constant 0 : i32
      %dma_start3A_189 = arith.constant 0 : i32
      %dma_start3A_190 = tpu.memref_slice %arg8[%dma_start3A_188, %dma_start3A_189] : memref<64x128xf32, #tpu.memory_space<vmem>> -> memref<32x128xf32, #tpu.memory_space<vmem>>
      %dma_start3A_191 = arith.constant 0 : i32
      %dma_start3A_192 = tpu.memref_slice %arg7[%add3A_187, %dma_start3A_191] : memref<10000x128xf32, #tpu.memory_space<hbm>> -> memref<32x128xf32, #tpu.memory_space<hbm>>
      %dma_start3A_193 = arith.constant 0 : i32
      %dma_start3A_194 = tpu.memref_slice %arg7[%add3A_187, %dma_start3A_193] : memref<10000x128xf32, #tpu.memory_space<hbm>> -> memref<32x128xf32, #tpu.memory_space<hbm>>
      %dma_start3A_195 = arith.constant 0 : i32
      %dma_start3A_196 = arith.constant 0 : i32
      %dma_start3A_197 = tpu.memref_slice %arg8[%dma_start3A_195, %dma_start3A_196] : memref<64x128xf32, #tpu.memory_space<vmem>> -> memref<32x128xf32, #tpu.memory_space<vmem>>
      tpu.enqueue_dma source(%dma_start3A_197 : memref<32x128xf32, #tpu.memory_space<vmem>>) target(%dma_start3A_194 : memref<32x128xf32, #tpu.memory_space<hbm>>) target_semaphore(%arg21 : memref<!tpu.dma_semaphore, #tpu.memory_space<semaphore_mem>>)
      %add3A_198 = arith.constant 608 : i32
      %add3A_199 = arith.addi %mul3A_15, %add3A_198 : i32
      %dma_start3A_200 = arith.constant 0 : i32
      %dma_start3A_201 = arith.constant 0 : i32
      %dma_start3A_202 = tpu.memref_slice %arg8[%dma_start3A_200, %dma_start3A_201] : memref<64x128xf32, #tpu.memory_space<vmem>> -> memref<32x128xf32, #tpu.memory_space<vmem>>
      %dma_start3A_203 = arith.constant 0 : i32
      %dma_start3A_204 = tpu.memref_slice %arg7[%add3A_199, %dma_start3A_203] : memref<10000x128xf32, #tpu.memory_space<hbm>> -> memref<32x128xf32, #tpu.memory_space<hbm>>
      %dma_start3A_205 = arith.constant 0 : i32
      %dma_start3A_206 = tpu.memref_slice %arg7[%add3A_199, %dma_start3A_205] : memref<10000x128xf32, #tpu.memory_space<hbm>> -> memref<32x128xf32, #tpu.memory_space<hbm>>
      %dma_start3A_207 = arith.constant 0 : i32
      %dma_start3A_208 = arith.constant 0 : i32
      %dma_start3A_209 = tpu.memref_slice %arg8[%dma_start3A_207, %dma_start3A_208] : memref<64x128xf32, #tpu.memory_space<vmem>> -> memref<32x128xf32, #tpu.memory_space<vmem>>
      tpu.enqueue_dma source(%dma_start3A_209 : memref<32x128xf32, #tpu.memory_space<vmem>>) target(%dma_start3A_206 : memref<32x128xf32, #tpu.memory_space<hbm>>) target_semaphore(%arg21 : memref<!tpu.dma_semaphore, #tpu.memory_space<semaphore_mem>>)
    } else {
    }
    %dma_wait3A_132 = arith.constant 0 : i32
    %dma_wait3A_133 = arith.constant 0 : i32
    %dma_wait3A_134 = tpu.memref_slice %arg19[%dma_wait3A_132, %dma_wait3A_133] : memref<10000x128xf32, #tpu.memory_space<vmem_shared>> -> memref<10000x128xf32, #tpu.memory_space<vmem_shared>>
    tpu.wait_indirect_dma semaphore(%arg22 : memref<!tpu.dma_semaphore, #tpu.memory_space<semaphore_mem>>) src(%dma_wait3A_134 : memref<10000x128xf32, #tpu.memory_space<vmem_shared>>) dst(%arg11 : memref<32x128xf32, #tpu.memory_space<vmem>>)
    %dma_wait3A_135 = arith.constant 0 : i32
    %dma_wait3A_136 = tpu.memref_slice %arg20[%dma_wait3A_135] : memref<10000xf32, #tpu.memory_space<vmem_shared>> -> memref<10000xf32, #tpu.memory_space<vmem_shared>>
    tpu.wait_indirect_dma semaphore(%arg22 : memref<!tpu.dma_semaphore, #tpu.memory_space<semaphore_mem>>) src(%dma_wait3A_136 : memref<10000xf32, #tpu.memory_space<vmem_shared>>) dst(%arg17 : memref<32xf32, #tpu.memory_space<vmem>>)
    %convert_element_type3A_137 = arith.extui %eq3A_1 : i1 to i32
    %cond3A_138 = arith.constant 0 : i32
    %cond3A_139 = arith.cmpi ne, %convert_element_type3A_137, %cond3A_138 : i32
    scf.if %cond3A_139 {
      %dma_wait3A_162 = arith.constant 0 : i32
      %dma_wait3A_163 = arith.constant 0 : i32
      %dma_wait3A_164 = tpu.memref_slice %arg2[%dma_wait3A_162, %dma_wait3A_163] : memref<10000x128xf32, #tpu.memory_space<hbm>> -> memref<10000x128xf32, #tpu.memory_space<hbm>>
      tpu.wait_indirect_dma semaphore(%arg24 : memref<!tpu.dma_semaphore, #tpu.memory_space<semaphore_mem>>) src(%dma_wait3A_164 : memref<10000x128xf32, #tpu.memory_space<hbm>>) dst(%arg12 : memref<32x128xf32, #tpu.memory_space<vmem>>)
    } else {
    }
    %convert_element_type3A_140 = arith.extui %eq3A_3 : i1 to i32
    %cond3A_141 = arith.constant 0 : i32
    %cond3A_142 = arith.cmpi ne, %convert_element_type3A_140, %cond3A_141 : i32
    scf.if %cond3A_142 {
      %dma_wait3A_162 = arith.constant 0 : i32
      %dma_wait3A_163 = arith.constant 0 : i32
      %dma_wait3A_164 = tpu.memref_slice %arg12[%dma_wait3A_162, %dma_wait3A_163] : memref<32x128xf32, #tpu.memory_space<vmem>> -> memref<16x128xf32, #tpu.memory_space<vmem>>
      %dma_wait3A_165 = arith.constant 0 : i32
      %dma_wait3A_166 = tpu.memref_slice %arg15[%dma_wait3A_165] : memref<32xi32, #tpu.memory_space<vmem>> -> memref<16xi32, #tpu.memory_space<vmem>>
      %dma_wait3A_167 = arith.constant 0 : i32
      %dma_wait3A_168 = arith.constant 0 : i32
      %dma_wait3A_169 = tpu.memref_slice %arg3[%dma_wait3A_167, %dma_wait3A_168] : memref<10000x128xf32, #tpu.memory_space<hbm>> -> memref<10000x128xf32, #tpu.memory_space<hbm>>
      tpu.wait_indirect_dma semaphore(%arg24 : memref<!tpu.dma_semaphore, #tpu.memory_space<semaphore_mem>>) src(%dma_wait3A_169 : memref<10000x128xf32, #tpu.memory_space<hbm>>) dst(%dma_wait3A_164 : memref<16x128xf32, #tpu.memory_space<vmem>>)
      %dma_wait3A_170 = arith.constant 16 : i32
      %dma_wait3A_171 = arith.constant 0 : i32
      %dma_wait3A_172 = tpu.memref_slice %arg12[%dma_wait3A_170, %dma_wait3A_171] : memref<32x128xf32, #tpu.memory_space<vmem>> -> memref<16x128xf32, #tpu.memory_space<vmem>>
      %dma_wait3A_173 = arith.constant 16 : i32
      %dma_wait3A_174 = tpu.memref_slice %arg15[%dma_wait3A_173] : memref<32xi32, #tpu.memory_space<vmem>> -> memref<16xi32, #tpu.memory_space<vmem>>
      %dma_wait3A_175 = arith.constant 0 : i32
      %dma_wait3A_176 = arith.constant 0 : i32
      %dma_wait3A_177 = tpu.memref_slice %arg3[%dma_wait3A_175, %dma_wait3A_176] : memref<10000x128xf32, #tpu.memory_space<hbm>> -> memref<10000x128xf32, #tpu.memory_space<hbm>>
      tpu.wait_indirect_dma semaphore(%arg24 : memref<!tpu.dma_semaphore, #tpu.memory_space<semaphore_mem>>) src(%dma_wait3A_177 : memref<10000x128xf32, #tpu.memory_space<hbm>>) dst(%dma_wait3A_172 : memref<16x128xf32, #tpu.memory_space<vmem>>)
    } else {
    }
    %scan3A_143 = arith.constant 0 : i32
    %scan3A_144 = arith.constant 0 : i32
    %scan3A_145 = arith.constant 32 : i32
    %scan3A_146 = arith.addi %scan3A_144, %scan3A_145 : i32
    %scan3A_147 = arith.constant 1 : i32
    scf.for %scan3A_162 = %scan3A_144 to %scan3A_146 step %scan3A_147  : i32 {
      %broadcast_in_dim3A_163 = vector.broadcast %scan3A_162 : i32 to vector<16xi32>
      %gather3A = tpu.vector_load_idx %arg17[%broadcast_in_dim3A_163] : memref<32xf32, #tpu.memory_space<vmem>>[vector<16xi32>], vector<16xf32>,
      %gt3A = arith.constant 0.000000e+00 : f32
      %gt3A_164 = vector.broadcast %gt3A : f32 to vector<16xf32>
      %gt3A_165 = arith.cmpf ogt, %gather3A, %gt3A_164 : vector<16xf32>
      %convert_element_type3A_166 = arith.extui %gt3A_165 : vector<16xi1> to vector<16xi32>
      %convert_element_type3A_167 = arith.sitofp %convert_element_type3A_166 : vector<16xi32> to vector<16xf32>
      %max3A = arith.constant 1.000000e+00 : f32
      %max3A_168 = vector.broadcast %max3A : f32 to vector<16xf32>
      %max3A_169 = arith.maximumf %gather3A, %max3A_168 : vector<16xf32>
      %div3A = arith.constant 1.000000e+00 : f32
      %div3A_170 = vector.broadcast %div3A : f32 to vector<16xf32>
      %div3A_171 = arith.divf %div3A_170, %max3A_169 : vector<16xf32>
      %get3A = arith.index_cast %scan3A_162 : i32 to index
      %get3A_172 = arith.constant 0 : index
      %get3A_173 = tpu.vector_load %arg11[%get3A, %get3A_172] {strides = array<i32>} : memref<32x128xf32, #tpu.memory_space<vmem>>, vector<16xf32>,
      %mul3A_174 = arith.mulf %get3A_173, %div3A_171 : vector<16xf32>
      %get3A_175 = arith.index_cast %scan3A_162 : i32 to index
      %get3A_176 = arith.constant 0 : index
      %get3A_177 = tpu.vector_load %arg12[%get3A_175, %get3A_176] {strides = array<i32>} : memref<32x128xf32, #tpu.memory_space<vmem>>, vector<16xf32>,
      %add3A_178 = arith.addf %mul3A_174, %get3A_177 : vector<16xf32>
      %mul3A_179 = arith.mulf %add3A_178, %convert_element_type3A_167 : vector<16xf32>
      %swap3A_180 = arith.index_cast %scan3A_162 : i32 to index
      %swap3A_181 = arith.constant 0 : index
      %swap3A_182 = tpu.vector_load %arg13[%swap3A_180, %swap3A_181] {strides = array<i32>} : memref<32x128xf32, #tpu.memory_space<vmem>>, vector<16xf32>,
      tpu.vector_store %arg13[%swap3A_180, %swap3A_181], %mul3A_179 {strides = array<i32>} : memref<32x128xf32, #tpu.memory_space<vmem>>, vector<16xf32>,
      %get3A_183 = arith.index_cast %scan3A_162 : i32 to index
      %get3A_184 = arith.constant 16 : index
      %get3A_185 = tpu.vector_load %arg11[%get3A_183, %get3A_184] {strides = array<i32>} : memref<32x128xf32, #tpu.memory_space<vmem>>, vector<16xf32>,
      %mul3A_186 = arith.mulf %get3A_185, %div3A_171 : vector<16xf32>
      %get3A_187 = arith.index_cast %scan3A_162 : i32 to index
      %get3A_188 = arith.constant 16 : index
      %get3A_189 = tpu.vector_load %arg12[%get3A_187, %get3A_188] {strides = array<i32>} : memref<32x128xf32, #tpu.memory_space<vmem>>, vector<16xf32>,
      %add3A_190 = arith.addf %mul3A_186, %get3A_189 : vector<16xf32>
      %mul3A_191 = arith.mulf %add3A_190, %convert_element_type3A_167 : vector<16xf32>
      %swap3A_192 = arith.index_cast %scan3A_162 : i32 to index
      %swap3A_193 = arith.constant 16 : index
      %swap3A_194 = tpu.vector_load %arg13[%swap3A_192, %swap3A_193] {strides = array<i32>} : memref<32x128xf32, #tpu.memory_space<vmem>>, vector<16xf32>,
      tpu.vector_store %arg13[%swap3A_192, %swap3A_193], %mul3A_191 {strides = array<i32>} : memref<32x128xf32, #tpu.memory_space<vmem>>, vector<16xf32>,
      %get3A_195 = arith.index_cast %scan3A_162 : i32 to index
      %get3A_196 = arith.constant 32 : index
      %get3A_197 = tpu.vector_load %arg11[%get3A_195, %get3A_196] {strides = array<i32>} : memref<32x128xf32, #tpu.memory_space<vmem>>, vector<16xf32>,
      %mul3A_198 = arith.mulf %get3A_197, %div3A_171 : vector<16xf32>
      %get3A_199 = arith.index_cast %scan3A_162 : i32 to index
      %get3A_200 = arith.constant 32 : index
      %get3A_201 = tpu.vector_load %arg12[%get3A_199, %get3A_200] {strides = array<i32>} : memref<32x128xf32, #tpu.memory_space<vmem>>, vector<16xf32>,
      %add3A_202 = arith.addf %mul3A_198, %get3A_201 : vector<16xf32>
      %mul3A_203 = arith.mulf %add3A_202, %convert_element_type3A_167 : vector<16xf32>
      %swap3A_204 = arith.index_cast %scan3A_162 : i32 to index
      %swap3A_205 = arith.constant 32 : index
      %swap3A_206 = tpu.vector_load %arg13[%swap3A_204, %swap3A_205] {strides = array<i32>} : memref<32x128xf32, #tpu.memory_space<vmem>>, vector<16xf32>,
      tpu.vector_store %arg13[%swap3A_204, %swap3A_205], %mul3A_203 {strides = array<i32>} : memref<32x128xf32, #tpu.memory_space<vmem>>, vector<16xf32>,
      %get3A_207 = arith.index_cast %scan3A_162 : i32 to index
      %get3A_208 = arith.constant 48 : index
      %get3A_209 = tpu.vector_load %arg11[%get3A_207, %get3A_208] {strides = array<i32>} : memref<32x128xf32, #tpu.memory_space<vmem>>, vector<16xf32>,
      %mul3A_210 = arith.mulf %get3A_209, %div3A_171 : vector<16xf32>
      %get3A_211 = arith.index_cast %scan3A_162 : i32 to index
      %get3A_212 = arith.constant 48 : index
      %get3A_213 = tpu.vector_load %arg12[%get3A_211, %get3A_212] {strides = array<i32>} : memref<32x128xf32, #tpu.memory_space<vmem>>, vector<16xf32>,
      %add3A_214 = arith.addf %mul3A_210, %get3A_213 : vector<16xf32>
      %mul3A_215 = arith.mulf %add3A_214, %convert_element_type3A_167 : vector<16xf32>
      %swap3A_216 = arith.index_cast %scan3A_162 : i32 to index
      %swap3A_217 = arith.constant 48 : index
      %swap3A_218 = tpu.vector_load %arg13[%swap3A_216, %swap3A_217] {strides = array<i32>} : memref<32x128xf32, #tpu.memory_space<vmem>>, vector<16xf32>,
      tpu.vector_store %arg13[%swap3A_216, %swap3A_217], %mul3A_215 {strides = array<i32>} : memref<32x128xf32, #tpu.memory_space<vmem>>, vector<16xf32>,
      %get3A_219 = arith.index_cast %scan3A_162 : i32 to index
      %get3A_220 = arith.constant 64 : index
      %get3A_221 = tpu.vector_load %arg11[%get3A_219, %get3A_220] {strides = array<i32>} : memref<32x128xf32, #tpu.memory_space<vmem>>, vector<16xf32>,
      %mul3A_222 = arith.mulf %get3A_221, %div3A_171 : vector<16xf32>
      %get3A_223 = arith.index_cast %scan3A_162 : i32 to index
      %get3A_224 = arith.constant 64 : index
      %get3A_225 = tpu.vector_load %arg12[%get3A_223, %get3A_224] {strides = array<i32>} : memref<32x128xf32, #tpu.memory_space<vmem>>, vector<16xf32>,
      %add3A_226 = arith.addf %mul3A_222, %get3A_225 : vector<16xf32>
      %mul3A_227 = arith.mulf %add3A_226, %convert_element_type3A_167 : vector<16xf32>
      %swap3A_228 = arith.index_cast %scan3A_162 : i32 to index
      %swap3A_229 = arith.constant 64 : index
      %swap3A_230 = tpu.vector_load %arg13[%swap3A_228, %swap3A_229] {strides = array<i32>} : memref<32x128xf32, #tpu.memory_space<vmem>>, vector<16xf32>,
      tpu.vector_store %arg13[%swap3A_228, %swap3A_229], %mul3A_227 {strides = array<i32>} : memref<32x128xf32, #tpu.memory_space<vmem>>, vector<16xf32>,
      %get3A_231 = arith.index_cast %scan3A_162 : i32 to index
      %get3A_232 = arith.constant 80 : index
      %get3A_233 = tpu.vector_load %arg11[%get3A_231, %get3A_232] {strides = array<i32>} : memref<32x128xf32, #tpu.memory_space<vmem>>, vector<16xf32>,
      %mul3A_234 = arith.mulf %get3A_233, %div3A_171 : vector<16xf32>
      %get3A_235 = arith.index_cast %scan3A_162 : i32 to index
      %get3A_236 = arith.constant 80 : index
      %get3A_237 = tpu.vector_load %arg12[%get3A_235, %get3A_236] {strides = array<i32>} : memref<32x128xf32, #tpu.memory_space<vmem>>, vector<16xf32>,
      %add3A_238 = arith.addf %mul3A_234, %get3A_237 : vector<16xf32>
      %mul3A_239 = arith.mulf %add3A_238, %convert_element_type3A_167 : vector<16xf32>
      %swap3A_240 = arith.index_cast %scan3A_162 : i32 to index
      %swap3A_241 = arith.constant 80 : index
      %swap3A_242 = tpu.vector_load %arg13[%swap3A_240, %swap3A_241] {strides = array<i32>} : memref<32x128xf32, #tpu.memory_space<vmem>>, vector<16xf32>,
      tpu.vector_store %arg13[%swap3A_240, %swap3A_241], %mul3A_239 {strides = array<i32>} : memref<32x128xf32, #tpu.memory_space<vmem>>, vector<16xf32>,
      %get3A_243 = arith.index_cast %scan3A_162 : i32 to index
      %get3A_244 = arith.constant 96 : index
      %get3A_245 = tpu.vector_load %arg11[%get3A_243, %get3A_244] {strides = array<i32>} : memref<32x128xf32, #tpu.memory_space<vmem>>, vector<16xf32>,
      %mul3A_246 = arith.mulf %get3A_245, %div3A_171 : vector<16xf32>
      %get3A_247 = arith.index_cast %scan3A_162 : i32 to index
      %get3A_248 = arith.constant 96 : index
      %get3A_249 = tpu.vector_load %arg12[%get3A_247, %get3A_248] {strides = array<i32>} : memref<32x128xf32, #tpu.memory_space<vmem>>, vector<16xf32>,
      %add3A_250 = arith.addf %mul3A_246, %get3A_249 : vector<16xf32>
      %mul3A_251 = arith.mulf %add3A_250, %convert_element_type3A_167 : vector<16xf32>
      %swap3A_252 = arith.index_cast %scan3A_162 : i32 to index
      %swap3A_253 = arith.constant 96 : index
      %swap3A_254 = tpu.vector_load %arg13[%swap3A_252, %swap3A_253] {strides = array<i32>} : memref<32x128xf32, #tpu.memory_space<vmem>>, vector<16xf32>,
      tpu.vector_store %arg13[%swap3A_252, %swap3A_253], %mul3A_251 {strides = array<i32>} : memref<32x128xf32, #tpu.memory_space<vmem>>, vector<16xf32>,
      %get3A_255 = arith.index_cast %scan3A_162 : i32 to index
      %get3A_256 = arith.constant 112 : index
      %get3A_257 = tpu.vector_load %arg11[%get3A_255, %get3A_256] {strides = array<i32>} : memref<32x128xf32, #tpu.memory_space<vmem>>, vector<16xf32>,
      %mul3A_258 = arith.mulf %get3A_257, %div3A_171 : vector<16xf32>
      %get3A_259 = arith.index_cast %scan3A_162 : i32 to index
      %get3A_260 = arith.constant 112 : index
      %get3A_261 = tpu.vector_load %arg12[%get3A_259, %get3A_260] {strides = array<i32>} : memref<32x128xf32, #tpu.memory_space<vmem>>, vector<16xf32>,
      %add3A_262 = arith.addf %mul3A_258, %get3A_261 : vector<16xf32>
      %mul3A_263 = arith.mulf %add3A_262, %convert_element_type3A_167 : vector<16xf32>
      %swap3A_264 = arith.index_cast %scan3A_162 : i32 to index
      %swap3A_265 = arith.constant 112 : index
      %swap3A_266 = tpu.vector_load %arg13[%swap3A_264, %swap3A_265] {strides = array<i32>} : memref<32x128xf32, #tpu.memory_space<vmem>>, vector<16xf32>,
      tpu.vector_store %arg13[%swap3A_264, %swap3A_265], %mul3A_263 {strides = array<i32>} : memref<32x128xf32, #tpu.memory_space<vmem>>, vector<16xf32>,
    }
    %scan3A_148 = arith.constant 32 : i32
    %convert_element_type3A_149 = arith.extui %eq3A_1 : i1 to i32
    %cond3A_150 = arith.constant 0 : i32
    %cond3A_151 = arith.cmpi ne, %convert_element_type3A_149, %cond3A_150 : i32
    scf.if %cond3A_151 {
      %dma_wait3A_162 = arith.constant 0 : i32
      %dma_wait3A_163 = arith.constant 0 : i32
      %dma_wait3A_164 = tpu.memref_slice %arg8[%dma_wait3A_162, %dma_wait3A_163] : memref<64x128xf32, #tpu.memory_space<vmem>> -> memref<64x128xf32, #tpu.memory_space<vmem>>
      %dma_wait3A_165 = arith.constant 0 : i32
      %dma_wait3A_166 = arith.constant 0 : i32
      %dma_wait3A_167 = tpu.memref_slice %arg6[%dma_wait3A_165, %dma_wait3A_166] : memref<10000x128xf32, #tpu.memory_space<hbm>> -> memref<64x128xf32, #tpu.memory_space<hbm>>
      %dma_wait3A_168 = arith.constant 0 : i32
      %dma_wait3A_169 = arith.constant 0 : i32
      %dma_wait3A_170 = tpu.memref_slice %arg6[%dma_wait3A_168, %dma_wait3A_169] : memref<10000x128xf32, #tpu.memory_space<hbm>> -> memref<64x128xf32, #tpu.memory_space<hbm>>
      %dma_wait3A_171 = arith.constant 0 : i32
      %dma_wait3A_172 = arith.constant 0 : i32
      %dma_wait3A_173 = tpu.memref_slice %arg8[%dma_wait3A_171, %dma_wait3A_172] : memref<64x128xf32, #tpu.memory_space<vmem>> -> memref<64x128xf32, #tpu.memory_space<vmem>>
      tpu.wait_dma2 semaphore(%arg21 : memref<!tpu.dma_semaphore, #tpu.memory_space<semaphore_mem>>) src(%dma_wait3A_173 : memref<64x128xf32, #tpu.memory_space<vmem>>) dst(%dma_wait3A_170 : memref<64x128xf32, #tpu.memory_space<hbm>>)
      %dma_wait3A_174 = arith.constant 0 : i32
      %dma_wait3A_175 = arith.constant 0 : i32
      %dma_wait3A_176 = tpu.memref_slice %arg8[%dma_wait3A_174, %dma_wait3A_175] : memref<64x128xf32, #tpu.memory_space<vmem>> -> memref<64x128xf32, #tpu.memory_space<vmem>>
      %dma_wait3A_177 = arith.constant 0 : i32
      %dma_wait3A_178 = arith.constant 0 : i32
      %dma_wait3A_179 = tpu.memref_slice %arg6[%dma_wait3A_177, %dma_wait3A_178] : memref<10000x128xf32, #tpu.memory_space<hbm>> -> memref<64x128xf32, #tpu.memory_space<hbm>>
      %dma_wait3A_180 = arith.constant 0 : i32
      %dma_wait3A_181 = arith.constant 0 : i32
      %dma_wait3A_182 = tpu.memref_slice %arg6[%dma_wait3A_180, %dma_wait3A_181] : memref<10000x128xf32, #tpu.memory_space<hbm>> -> memref<64x128xf32, #tpu.memory_space<hbm>>
      %dma_wait3A_183 = arith.constant 0 : i32
      %dma_wait3A_184 = arith.constant 0 : i32
      %dma_wait3A_185 = tpu.memref_slice %arg8[%dma_wait3A_183, %dma_wait3A_184] : memref<64x128xf32, #tpu.memory_space<vmem>> -> memref<64x128xf32, #tpu.memory_space<vmem>>
      tpu.wait_dma2 semaphore(%arg21 : memref<!tpu.dma_semaphore, #tpu.memory_space<semaphore_mem>>) src(%dma_wait3A_185 : memref<64x128xf32, #tpu.memory_space<vmem>>) dst(%dma_wait3A_182 : memref<64x128xf32, #tpu.memory_space<hbm>>)
      %dma_wait3A_186 = arith.constant 0 : i32
      %dma_wait3A_187 = arith.constant 0 : i32
      %dma_wait3A_188 = tpu.memref_slice %arg8[%dma_wait3A_186, %dma_wait3A_187] : memref<64x128xf32, #tpu.memory_space<vmem>> -> memref<64x128xf32, #tpu.memory_space<vmem>>
      %dma_wait3A_189 = arith.constant 0 : i32
      %dma_wait3A_190 = arith.constant 0 : i32
      %dma_wait3A_191 = tpu.memref_slice %arg6[%dma_wait3A_189, %dma_wait3A_190] : memref<10000x128xf32, #tpu.memory_space<hbm>> -> memref<64x128xf32, #tpu.memory_space<hbm>>
      %dma_wait3A_192 = arith.constant 0 : i32
      %dma_wait3A_193 = arith.constant 0 : i32
      %dma_wait3A_194 = tpu.memref_slice %arg6[%dma_wait3A_192, %dma_wait3A_193] : memref<10000x128xf32, #tpu.memory_space<hbm>> -> memref<64x128xf32, #tpu.memory_space<hbm>>
      %dma_wait3A_195 = arith.constant 0 : i32
      %dma_wait3A_196 = arith.constant 0 : i32
      %dma_wait3A_197 = tpu.memref_slice %arg8[%dma_wait3A_195, %dma_wait3A_196] : memref<64x128xf32, #tpu.memory_space<vmem>> -> memref<64x128xf32, #tpu.memory_space<vmem>>
      tpu.wait_dma2 semaphore(%arg21 : memref<!tpu.dma_semaphore, #tpu.memory_space<semaphore_mem>>) src(%dma_wait3A_197 : memref<64x128xf32, #tpu.memory_space<vmem>>) dst(%dma_wait3A_194 : memref<64x128xf32, #tpu.memory_space<hbm>>)
      %dma_wait3A_198 = arith.constant 0 : i32
      %dma_wait3A_199 = arith.constant 0 : i32
      %dma_wait3A_200 = tpu.memref_slice %arg8[%dma_wait3A_198, %dma_wait3A_199] : memref<64x128xf32, #tpu.memory_space<vmem>> -> memref<64x128xf32, #tpu.memory_space<vmem>>
      %dma_wait3A_201 = arith.constant 0 : i32
      %dma_wait3A_202 = arith.constant 0 : i32
      %dma_wait3A_203 = tpu.memref_slice %arg6[%dma_wait3A_201, %dma_wait3A_202] : memref<10000x128xf32, #tpu.memory_space<hbm>> -> memref<64x128xf32, #tpu.memory_space<hbm>>
      %dma_wait3A_204 = arith.constant 0 : i32
      %dma_wait3A_205 = arith.constant 0 : i32
      %dma_wait3A_206 = tpu.memref_slice %arg6[%dma_wait3A_204, %dma_wait3A_205] : memref<10000x128xf32, #tpu.memory_space<hbm>> -> memref<64x128xf32, #tpu.memory_space<hbm>>
      %dma_wait3A_207 = arith.constant 0 : i32
      %dma_wait3A_208 = arith.constant 0 : i32
      %dma_wait3A_209 = tpu.memref_slice %arg8[%dma_wait3A_207, %dma_wait3A_208] : memref<64x128xf32, #tpu.memory_space<vmem>> -> memref<64x128xf32, #tpu.memory_space<vmem>>
      tpu.wait_dma2 semaphore(%arg21 : memref<!tpu.dma_semaphore, #tpu.memory_space<semaphore_mem>>) src(%dma_wait3A_209 : memref<64x128xf32, #tpu.memory_space<vmem>>) dst(%dma_wait3A_206 : memref<64x128xf32, #tpu.memory_space<hbm>>)
      %dma_wait3A_210 = arith.constant 0 : i32
      %dma_wait3A_211 = arith.constant 0 : i32
      %dma_wait3A_212 = tpu.memref_slice %arg8[%dma_wait3A_210, %dma_wait3A_211] : memref<64x128xf32, #tpu.memory_space<vmem>> -> memref<64x128xf32, #tpu.memory_space<vmem>>
      %dma_wait3A_213 = arith.constant 0 : i32
      %dma_wait3A_214 = arith.constant 0 : i32
      %dma_wait3A_215 = tpu.memref_slice %arg6[%dma_wait3A_213, %dma_wait3A_214] : memref<10000x128xf32, #tpu.memory_space<hbm>> -> memref<64x128xf32, #tpu.memory_space<hbm>>
      %dma_wait3A_216 = arith.constant 0 : i32
      %dma_wait3A_217 = arith.constant 0 : i32
      %dma_wait3A_218 = tpu.memref_slice %arg6[%dma_wait3A_216, %dma_wait3A_217] : memref<10000x128xf32, #tpu.memory_space<hbm>> -> memref<64x128xf32, #tpu.memory_space<hbm>>
      %dma_wait3A_219 = arith.constant 0 : i32
      %dma_wait3A_220 = arith.constant 0 : i32
      %dma_wait3A_221 = tpu.memref_slice %arg8[%dma_wait3A_219, %dma_wait3A_220] : memref<64x128xf32, #tpu.memory_space<vmem>> -> memref<64x128xf32, #tpu.memory_space<vmem>>
      tpu.wait_dma2 semaphore(%arg21 : memref<!tpu.dma_semaphore, #tpu.memory_space<semaphore_mem>>) src(%dma_wait3A_221 : memref<64x128xf32, #tpu.memory_space<vmem>>) dst(%dma_wait3A_218 : memref<64x128xf32, #tpu.memory_space<hbm>>)
      %dma_wait3A_222 = arith.constant 0 : i32
      %dma_wait3A_223 = arith.constant 0 : i32
      %dma_wait3A_224 = tpu.memref_slice %arg8[%dma_wait3A_222, %dma_wait3A_223] : memref<64x128xf32, #tpu.memory_space<vmem>> -> memref<64x128xf32, #tpu.memory_space<vmem>>
      %dma_wait3A_225 = arith.constant 0 : i32
      %dma_wait3A_226 = arith.constant 0 : i32
      %dma_wait3A_227 = tpu.memref_slice %arg6[%dma_wait3A_225, %dma_wait3A_226] : memref<10000x128xf32, #tpu.memory_space<hbm>> -> memref<64x128xf32, #tpu.memory_space<hbm>>
      %dma_wait3A_228 = arith.constant 0 : i32
      %dma_wait3A_229 = arith.constant 0 : i32
      %dma_wait3A_230 = tpu.memref_slice %arg6[%dma_wait3A_228, %dma_wait3A_229] : memref<10000x128xf32, #tpu.memory_space<hbm>> -> memref<64x128xf32, #tpu.memory_space<hbm>>
      %dma_wait3A_231 = arith.constant 0 : i32
      %dma_wait3A_232 = arith.constant 0 : i32
      %dma_wait3A_233 = tpu.memref_slice %arg8[%dma_wait3A_231, %dma_wait3A_232] : memref<64x128xf32, #tpu.memory_space<vmem>> -> memref<64x128xf32, #tpu.memory_space<vmem>>
      tpu.wait_dma2 semaphore(%arg21 : memref<!tpu.dma_semaphore, #tpu.memory_space<semaphore_mem>>) src(%dma_wait3A_233 : memref<64x128xf32, #tpu.memory_space<vmem>>) dst(%dma_wait3A_230 : memref<64x128xf32, #tpu.memory_space<hbm>>)
      %dma_wait3A_234 = arith.constant 0 : i32
      %dma_wait3A_235 = arith.constant 0 : i32
      %dma_wait3A_236 = tpu.memref_slice %arg8[%dma_wait3A_234, %dma_wait3A_235] : memref<64x128xf32, #tpu.memory_space<vmem>> -> memref<64x128xf32, #tpu.memory_space<vmem>>
      %dma_wait3A_237 = arith.constant 0 : i32
      %dma_wait3A_238 = arith.constant 0 : i32
      %dma_wait3A_239 = tpu.memref_slice %arg6[%dma_wait3A_237, %dma_wait3A_238] : memref<10000x128xf32, #tpu.memory_space<hbm>> -> memref<64x128xf32, #tpu.memory_space<hbm>>
      %dma_wait3A_240 = arith.constant 0 : i32
      %dma_wait3A_241 = arith.constant 0 : i32
      %dma_wait3A_242 = tpu.memref_slice %arg6[%dma_wait3A_240, %dma_wait3A_241] : memref<10000x128xf32, #tpu.memory_space<hbm>> -> memref<64x128xf32, #tpu.memory_space<hbm>>
      %dma_wait3A_243 = arith.constant 0 : i32
      %dma_wait3A_244 = arith.constant 0 : i32
      %dma_wait3A_245 = tpu.memref_slice %arg8[%dma_wait3A_243, %dma_wait3A_244] : memref<64x128xf32, #tpu.memory_space<vmem>> -> memref<64x128xf32, #tpu.memory_space<vmem>>
      tpu.wait_dma2 semaphore(%arg21 : memref<!tpu.dma_semaphore, #tpu.memory_space<semaphore_mem>>) src(%dma_wait3A_245 : memref<64x128xf32, #tpu.memory_space<vmem>>) dst(%dma_wait3A_242 : memref<64x128xf32, #tpu.memory_space<hbm>>)
      %dma_wait3A_246 = arith.constant 0 : i32
      %dma_wait3A_247 = arith.constant 0 : i32
      %dma_wait3A_248 = tpu.memref_slice %arg8[%dma_wait3A_246, %dma_wait3A_247] : memref<64x128xf32, #tpu.memory_space<vmem>> -> memref<64x128xf32, #tpu.memory_space<vmem>>
      %dma_wait3A_249 = arith.constant 0 : i32
      %dma_wait3A_250 = arith.constant 0 : i32
      %dma_wait3A_251 = tpu.memref_slice %arg6[%dma_wait3A_249, %dma_wait3A_250] : memref<10000x128xf32, #tpu.memory_space<hbm>> -> memref<64x128xf32, #tpu.memory_space<hbm>>
      %dma_wait3A_252 = arith.constant 0 : i32
      %dma_wait3A_253 = arith.constant 0 : i32
      %dma_wait3A_254 = tpu.memref_slice %arg6[%dma_wait3A_252, %dma_wait3A_253] : memref<10000x128xf32, #tpu.memory_space<hbm>> -> memref<64x128xf32, #tpu.memory_space<hbm>>
      %dma_wait3A_255 = arith.constant 0 : i32
      %dma_wait3A_256 = arith.constant 0 : i32
      %dma_wait3A_257 = tpu.memref_slice %arg8[%dma_wait3A_255, %dma_wait3A_256] : memref<64x128xf32, #tpu.memory_space<vmem>> -> memref<64x128xf32, #tpu.memory_space<vmem>>
      tpu.wait_dma2 semaphore(%arg21 : memref<!tpu.dma_semaphore, #tpu.memory_space<semaphore_mem>>) src(%dma_wait3A_257 : memref<64x128xf32, #tpu.memory_space<vmem>>) dst(%dma_wait3A_254 : memref<64x128xf32, #tpu.memory_space<hbm>>)
      %dma_wait3A_258 = arith.constant 0 : i32
      %dma_wait3A_259 = arith.constant 0 : i32
      %dma_wait3A_260 = tpu.memref_slice %arg8[%dma_wait3A_258, %dma_wait3A_259] : memref<64x128xf32, #tpu.memory_space<vmem>> -> memref<64x128xf32, #tpu.memory_space<vmem>>
      %dma_wait3A_261 = arith.constant 0 : i32
      %dma_wait3A_262 = arith.constant 0 : i32
      %dma_wait3A_263 = tpu.memref_slice %arg6[%dma_wait3A_261, %dma_wait3A_262] : memref<10000x128xf32, #tpu.memory_space<hbm>> -> memref<64x128xf32, #tpu.memory_space<hbm>>
      %dma_wait3A_264 = arith.constant 0 : i32
      %dma_wait3A_265 = arith.constant 0 : i32
      %dma_wait3A_266 = tpu.memref_slice %arg6[%dma_wait3A_264, %dma_wait3A_265] : memref<10000x128xf32, #tpu.memory_space<hbm>> -> memref<64x128xf32, #tpu.memory_space<hbm>>
      %dma_wait3A_267 = arith.constant 0 : i32
      %dma_wait3A_268 = arith.constant 0 : i32
      %dma_wait3A_269 = tpu.memref_slice %arg8[%dma_wait3A_267, %dma_wait3A_268] : memref<64x128xf32, #tpu.memory_space<vmem>> -> memref<64x128xf32, #tpu.memory_space<vmem>>
      tpu.wait_dma2 semaphore(%arg21 : memref<!tpu.dma_semaphore, #tpu.memory_space<semaphore_mem>>) src(%dma_wait3A_269 : memref<64x128xf32, #tpu.memory_space<vmem>>) dst(%dma_wait3A_266 : memref<64x128xf32, #tpu.memory_space<hbm>>)
      %dma_wait3A_270 = arith.constant 0 : i32
      %dma_wait3A_271 = arith.constant 0 : i32
      %dma_wait3A_272 = tpu.memref_slice %arg8[%dma_wait3A_270, %dma_wait3A_271] : memref<64x128xf32, #tpu.memory_space<vmem>> -> memref<64x128xf32, #tpu.memory_space<vmem>>
      %dma_wait3A_273 = arith.constant 0 : i32
      %dma_wait3A_274 = arith.constant 0 : i32
      %dma_wait3A_275 = tpu.memref_slice %arg6[%dma_wait3A_273, %dma_wait3A_274] : memref<10000x128xf32, #tpu.memory_space<hbm>> -> memref<64x128xf32, #tpu.memory_space<hbm>>
      %dma_wait3A_276 = arith.constant 0 : i32
      %dma_wait3A_277 = arith.constant 0 : i32
      %dma_wait3A_278 = tpu.memref_slice %arg6[%dma_wait3A_276, %dma_wait3A_277] : memref<10000x128xf32, #tpu.memory_space<hbm>> -> memref<64x128xf32, #tpu.memory_space<hbm>>
      %dma_wait3A_279 = arith.constant 0 : i32
      %dma_wait3A_280 = arith.constant 0 : i32
      %dma_wait3A_281 = tpu.memref_slice %arg8[%dma_wait3A_279, %dma_wait3A_280] : memref<64x128xf32, #tpu.memory_space<vmem>> -> memref<64x128xf32, #tpu.memory_space<vmem>>
      tpu.wait_dma2 semaphore(%arg21 : memref<!tpu.dma_semaphore, #tpu.memory_space<semaphore_mem>>) src(%dma_wait3A_281 : memref<64x128xf32, #tpu.memory_space<vmem>>) dst(%dma_wait3A_278 : memref<64x128xf32, #tpu.memory_space<hbm>>)
    } else {
    }
    %convert_element_type3A_152 = arith.extui %eq3A_3 : i1 to i32
    %cond3A_153 = arith.constant 0 : i32
    %cond3A_154 = arith.cmpi ne, %convert_element_type3A_152, %cond3A_153 : i32
    scf.if %cond3A_154 {
      %dma_wait3A_162 = arith.constant 0 : i32
      %dma_wait3A_163 = arith.constant 0 : i32
      %dma_wait3A_164 = tpu.memref_slice %arg8[%dma_wait3A_162, %dma_wait3A_163] : memref<64x128xf32, #tpu.memory_space<vmem>> -> memref<64x128xf32, #tpu.memory_space<vmem>>
      %dma_wait3A_165 = arith.constant 0 : i32
      %dma_wait3A_166 = arith.constant 0 : i32
      %dma_wait3A_167 = tpu.memref_slice %arg7[%dma_wait3A_165, %dma_wait3A_166] : memref<10000x128xf32, #tpu.memory_space<hbm>> -> memref<64x128xf32, #tpu.memory_space<hbm>>
      %dma_wait3A_168 = arith.constant 0 : i32
      %dma_wait3A_169 = arith.constant 0 : i32
      %dma_wait3A_170 = tpu.memref_slice %arg7[%dma_wait3A_168, %dma_wait3A_169] : memref<10000x128xf32, #tpu.memory_space<hbm>> -> memref<64x128xf32, #tpu.memory_space<hbm>>
      %dma_wait3A_171 = arith.constant 0 : i32
      %dma_wait3A_172 = arith.constant 0 : i32
      %dma_wait3A_173 = tpu.memref_slice %arg8[%dma_wait3A_171, %dma_wait3A_172] : memref<64x128xf32, #tpu.memory_space<vmem>> -> memref<64x128xf32, #tpu.memory_space<vmem>>
      tpu.wait_dma2 semaphore(%arg21 : memref<!tpu.dma_semaphore, #tpu.memory_space<semaphore_mem>>) src(%dma_wait3A_173 : memref<64x128xf32, #tpu.memory_space<vmem>>) dst(%dma_wait3A_170 : memref<64x128xf32, #tpu.memory_space<hbm>>)
      %dma_wait3A_174 = arith.constant 0 : i32
      %dma_wait3A_175 = arith.constant 0 : i32
      %dma_wait3A_176 = tpu.memref_slice %arg8[%dma_wait3A_174, %dma_wait3A_175] : memref<64x128xf32, #tpu.memory_space<vmem>> -> memref<64x128xf32, #tpu.memory_space<vmem>>
      %dma_wait3A_177 = arith.constant 0 : i32
      %dma_wait3A_178 = arith.constant 0 : i32
      %dma_wait3A_179 = tpu.memref_slice %arg7[%dma_wait3A_177, %dma_wait3A_178] : memref<10000x128xf32, #tpu.memory_space<hbm>> -> memref<64x128xf32, #tpu.memory_space<hbm>>
      %dma_wait3A_180 = arith.constant 0 : i32
      %dma_wait3A_181 = arith.constant 0 : i32
      %dma_wait3A_182 = tpu.memref_slice %arg7[%dma_wait3A_180, %dma_wait3A_181] : memref<10000x128xf32, #tpu.memory_space<hbm>> -> memref<64x128xf32, #tpu.memory_space<hbm>>
      %dma_wait3A_183 = arith.constant 0 : i32
      %dma_wait3A_184 = arith.constant 0 : i32
      %dma_wait3A_185 = tpu.memref_slice %arg8[%dma_wait3A_183, %dma_wait3A_184] : memref<64x128xf32, #tpu.memory_space<vmem>> -> memref<64x128xf32, #tpu.memory_space<vmem>>
      tpu.wait_dma2 semaphore(%arg21 : memref<!tpu.dma_semaphore, #tpu.memory_space<semaphore_mem>>) src(%dma_wait3A_185 : memref<64x128xf32, #tpu.memory_space<vmem>>) dst(%dma_wait3A_182 : memref<64x128xf32, #tpu.memory_space<hbm>>)
      %dma_wait3A_186 = arith.constant 0 : i32
      %dma_wait3A_187 = arith.constant 0 : i32
      %dma_wait3A_188 = tpu.memref_slice %arg8[%dma_wait3A_186, %dma_wait3A_187] : memref<64x128xf32, #tpu.memory_space<vmem>> -> memref<64x128xf32, #tpu.memory_space<vmem>>
      %dma_wait3A_189 = arith.constant 0 : i32
      %dma_wait3A_190 = arith.constant 0 : i32
      %dma_wait3A_191 = tpu.memref_slice %arg7[%dma_wait3A_189, %dma_wait3A_190] : memref<10000x128xf32, #tpu.memory_space<hbm>> -> memref<64x128xf32, #tpu.memory_space<hbm>>
      %dma_wait3A_192 = arith.constant 0 : i32
      %dma_wait3A_193 = arith.constant 0 : i32
      %dma_wait3A_194 = tpu.memref_slice %arg7[%dma_wait3A_192, %dma_wait3A_193] : memref<10000x128xf32, #tpu.memory_space<hbm>> -> memref<64x128xf32, #tpu.memory_space<hbm>>
      %dma_wait3A_195 = arith.constant 0 : i32
      %dma_wait3A_196 = arith.constant 0 : i32
      %dma_wait3A_197 = tpu.memref_slice %arg8[%dma_wait3A_195, %dma_wait3A_196] : memref<64x128xf32, #tpu.memory_space<vmem>> -> memref<64x128xf32, #tpu.memory_space<vmem>>
      tpu.wait_dma2 semaphore(%arg21 : memref<!tpu.dma_semaphore, #tpu.memory_space<semaphore_mem>>) src(%dma_wait3A_197 : memref<64x128xf32, #tpu.memory_space<vmem>>) dst(%dma_wait3A_194 : memref<64x128xf32, #tpu.memory_space<hbm>>)
      %dma_wait3A_198 = arith.constant 0 : i32
      %dma_wait3A_199 = arith.constant 0 : i32
      %dma_wait3A_200 = tpu.memref_slice %arg8[%dma_wait3A_198, %dma_wait3A_199] : memref<64x128xf32, #tpu.memory_space<vmem>> -> memref<64x128xf32, #tpu.memory_space<vmem>>
      %dma_wait3A_201 = arith.constant 0 : i32
      %dma_wait3A_202 = arith.constant 0 : i32
      %dma_wait3A_203 = tpu.memref_slice %arg7[%dma_wait3A_201, %dma_wait3A_202] : memref<10000x128xf32, #tpu.memory_space<hbm>> -> memref<64x128xf32, #tpu.memory_space<hbm>>
      %dma_wait3A_204 = arith.constant 0 : i32
      %dma_wait3A_205 = arith.constant 0 : i32
      %dma_wait3A_206 = tpu.memref_slice %arg7[%dma_wait3A_204, %dma_wait3A_205] : memref<10000x128xf32, #tpu.memory_space<hbm>> -> memref<64x128xf32, #tpu.memory_space<hbm>>
      %dma_wait3A_207 = arith.constant 0 : i32
      %dma_wait3A_208 = arith.constant 0 : i32
      %dma_wait3A_209 = tpu.memref_slice %arg8[%dma_wait3A_207, %dma_wait3A_208] : memref<64x128xf32, #tpu.memory_space<vmem>> -> memref<64x128xf32, #tpu.memory_space<vmem>>
      tpu.wait_dma2 semaphore(%arg21 : memref<!tpu.dma_semaphore, #tpu.memory_space<semaphore_mem>>) src(%dma_wait3A_209 : memref<64x128xf32, #tpu.memory_space<vmem>>) dst(%dma_wait3A_206 : memref<64x128xf32, #tpu.memory_space<hbm>>)
      %dma_wait3A_210 = arith.constant 0 : i32
      %dma_wait3A_211 = arith.constant 0 : i32
      %dma_wait3A_212 = tpu.memref_slice %arg8[%dma_wait3A_210, %dma_wait3A_211] : memref<64x128xf32, #tpu.memory_space<vmem>> -> memref<64x128xf32, #tpu.memory_space<vmem>>
      %dma_wait3A_213 = arith.constant 0 : i32
      %dma_wait3A_214 = arith.constant 0 : i32
      %dma_wait3A_215 = tpu.memref_slice %arg7[%dma_wait3A_213, %dma_wait3A_214] : memref<10000x128xf32, #tpu.memory_space<hbm>> -> memref<64x128xf32, #tpu.memory_space<hbm>>
      %dma_wait3A_216 = arith.constant 0 : i32
      %dma_wait3A_217 = arith.constant 0 : i32
      %dma_wait3A_218 = tpu.memref_slice %arg7[%dma_wait3A_216, %dma_wait3A_217] : memref<10000x128xf32, #tpu.memory_space<hbm>> -> memref<64x128xf32, #tpu.memory_space<hbm>>
      %dma_wait3A_219 = arith.constant 0 : i32
      %dma_wait3A_220 = arith.constant 0 : i32
      %dma_wait3A_221 = tpu.memref_slice %arg8[%dma_wait3A_219, %dma_wait3A_220] : memref<64x128xf32, #tpu.memory_space<vmem>> -> memref<64x128xf32, #tpu.memory_space<vmem>>
      tpu.wait_dma2 semaphore(%arg21 : memref<!tpu.dma_semaphore, #tpu.memory_space<semaphore_mem>>) src(%dma_wait3A_221 : memref<64x128xf32, #tpu.memory_space<vmem>>) dst(%dma_wait3A_218 : memref<64x128xf32, #tpu.memory_space<hbm>>)
      %dma_wait3A_222 = arith.constant 0 : i32
      %dma_wait3A_223 = arith.constant 0 : i32
      %dma_wait3A_224 = tpu.memref_slice %arg8[%dma_wait3A_222, %dma_wait3A_223] : memref<64x128xf32, #tpu.memory_space<vmem>> -> memref<64x128xf32, #tpu.memory_space<vmem>>
      %dma_wait3A_225 = arith.constant 0 : i32
      %dma_wait3A_226 = arith.constant 0 : i32
      %dma_wait3A_227 = tpu.memref_slice %arg7[%dma_wait3A_225, %dma_wait3A_226] : memref<10000x128xf32, #tpu.memory_space<hbm>> -> memref<64x128xf32, #tpu.memory_space<hbm>>
      %dma_wait3A_228 = arith.constant 0 : i32
      %dma_wait3A_229 = arith.constant 0 : i32
      %dma_wait3A_230 = tpu.memref_slice %arg7[%dma_wait3A_228, %dma_wait3A_229] : memref<10000x128xf32, #tpu.memory_space<hbm>> -> memref<64x128xf32, #tpu.memory_space<hbm>>
      %dma_wait3A_231 = arith.constant 0 : i32
      %dma_wait3A_232 = arith.constant 0 : i32
      %dma_wait3A_233 = tpu.memref_slice %arg8[%dma_wait3A_231, %dma_wait3A_232] : memref<64x128xf32, #tpu.memory_space<vmem>> -> memref<64x128xf32, #tpu.memory_space<vmem>>
      tpu.wait_dma2 semaphore(%arg21 : memref<!tpu.dma_semaphore, #tpu.memory_space<semaphore_mem>>) src(%dma_wait3A_233 : memref<64x128xf32, #tpu.memory_space<vmem>>) dst(%dma_wait3A_230 : memref<64x128xf32, #tpu.memory_space<hbm>>)
      %dma_wait3A_234 = arith.constant 0 : i32
      %dma_wait3A_235 = arith.constant 0 : i32
      %dma_wait3A_236 = tpu.memref_slice %arg8[%dma_wait3A_234, %dma_wait3A_235] : memref<64x128xf32, #tpu.memory_space<vmem>> -> memref<64x128xf32, #tpu.memory_space<vmem>>
      %dma_wait3A_237 = arith.constant 0 : i32
      %dma_wait3A_238 = arith.constant 0 : i32
      %dma_wait3A_239 = tpu.memref_slice %arg7[%dma_wait3A_237, %dma_wait3A_238] : memref<10000x128xf32, #tpu.memory_space<hbm>> -> memref<64x128xf32, #tpu.memory_space<hbm>>
      %dma_wait3A_240 = arith.constant 0 : i32
      %dma_wait3A_241 = arith.constant 0 : i32
      %dma_wait3A_242 = tpu.memref_slice %arg7[%dma_wait3A_240, %dma_wait3A_241] : memref<10000x128xf32, #tpu.memory_space<hbm>> -> memref<64x128xf32, #tpu.memory_space<hbm>>
      %dma_wait3A_243 = arith.constant 0 : i32
      %dma_wait3A_244 = arith.constant 0 : i32
      %dma_wait3A_245 = tpu.memref_slice %arg8[%dma_wait3A_243, %dma_wait3A_244] : memref<64x128xf32, #tpu.memory_space<vmem>> -> memref<64x128xf32, #tpu.memory_space<vmem>>
      tpu.wait_dma2 semaphore(%arg21 : memref<!tpu.dma_semaphore, #tpu.memory_space<semaphore_mem>>) src(%dma_wait3A_245 : memref<64x128xf32, #tpu.memory_space<vmem>>) dst(%dma_wait3A_242 : memref<64x128xf32, #tpu.memory_space<hbm>>)
      %dma_wait3A_246 = arith.constant 0 : i32
      %dma_wait3A_247 = arith.constant 0 : i32
      %dma_wait3A_248 = tpu.memref_slice %arg8[%dma_wait3A_246, %dma_wait3A_247] : memref<64x128xf32, #tpu.memory_space<vmem>> -> memref<64x128xf32, #tpu.memory_space<vmem>>
      %dma_wait3A_249 = arith.constant 0 : i32
      %dma_wait3A_250 = arith.constant 0 : i32
      %dma_wait3A_251 = tpu.memref_slice %arg7[%dma_wait3A_249, %dma_wait3A_250] : memref<10000x128xf32, #tpu.memory_space<hbm>> -> memref<64x128xf32, #tpu.memory_space<hbm>>
      %dma_wait3A_252 = arith.constant 0 : i32
      %dma_wait3A_253 = arith.constant 0 : i32
      %dma_wait3A_254 = tpu.memref_slice %arg7[%dma_wait3A_252, %dma_wait3A_253] : memref<10000x128xf32, #tpu.memory_space<hbm>> -> memref<64x128xf32, #tpu.memory_space<hbm>>
      %dma_wait3A_255 = arith.constant 0 : i32
      %dma_wait3A_256 = arith.constant 0 : i32
      %dma_wait3A_257 = tpu.memref_slice %arg8[%dma_wait3A_255, %dma_wait3A_256] : memref<64x128xf32, #tpu.memory_space<vmem>> -> memref<64x128xf32, #tpu.memory_space<vmem>>
      tpu.wait_dma2 semaphore(%arg21 : memref<!tpu.dma_semaphore, #tpu.memory_space<semaphore_mem>>) src(%dma_wait3A_257 : memref<64x128xf32, #tpu.memory_space<vmem>>) dst(%dma_wait3A_254 : memref<64x128xf32, #tpu.memory_space<hbm>>)
      %dma_wait3A_258 = arith.constant 0 : i32
      %dma_wait3A_259 = arith.constant 0 : i32
      %dma_wait3A_260 = tpu.memref_slice %arg8[%dma_wait3A_258, %dma_wait3A_259] : memref<64x128xf32, #tpu.memory_space<vmem>> -> memref<64x128xf32, #tpu.memory_space<vmem>>
      %dma_wait3A_261 = arith.constant 0 : i32
      %dma_wait3A_262 = arith.constant 0 : i32
      %dma_wait3A_263 = tpu.memref_slice %arg7[%dma_wait3A_261, %dma_wait3A_262] : memref<10000x128xf32, #tpu.memory_space<hbm>> -> memref<64x128xf32, #tpu.memory_space<hbm>>
      %dma_wait3A_264 = arith.constant 0 : i32
      %dma_wait3A_265 = arith.constant 0 : i32
      %dma_wait3A_266 = tpu.memref_slice %arg7[%dma_wait3A_264, %dma_wait3A_265] : memref<10000x128xf32, #tpu.memory_space<hbm>> -> memref<64x128xf32, #tpu.memory_space<hbm>>
      %dma_wait3A_267 = arith.constant 0 : i32
      %dma_wait3A_268 = arith.constant 0 : i32
      %dma_wait3A_269 = tpu.memref_slice %arg8[%dma_wait3A_267, %dma_wait3A_268] : memref<64x128xf32, #tpu.memory_space<vmem>> -> memref<64x128xf32, #tpu.memory_space<vmem>>
      tpu.wait_dma2 semaphore(%arg21 : memref<!tpu.dma_semaphore, #tpu.memory_space<semaphore_mem>>) src(%dma_wait3A_269 : memref<64x128xf32, #tpu.memory_space<vmem>>) dst(%dma_wait3A_266 : memref<64x128xf32, #tpu.memory_space<hbm>>)
      %dma_wait3A_270 = arith.constant 0 : i32
      %dma_wait3A_271 = arith.constant 0 : i32
      %dma_wait3A_272 = tpu.memref_slice %arg8[%dma_wait3A_270, %dma_wait3A_271] : memref<64x128xf32, #tpu.memory_space<vmem>> -> memref<32x128xf32, #tpu.memory_space<vmem>>
      %dma_wait3A_273 = arith.constant 0 : i32
      %dma_wait3A_274 = arith.constant 0 : i32
      %dma_wait3A_275 = tpu.memref_slice %arg7[%dma_wait3A_273, %dma_wait3A_274] : memref<10000x128xf32, #tpu.memory_space<hbm>> -> memref<32x128xf32, #tpu.memory_space<hbm>>
      %dma_wait3A_276 = arith.constant 0 : i32
      %dma_wait3A_277 = arith.constant 0 : i32
      %dma_wait3A_278 = tpu.memref_slice %arg7[%dma_wait3A_276, %dma_wait3A_277] : memref<10000x128xf32, #tpu.memory_space<hbm>> -> memref<32x128xf32, #tpu.memory_space<hbm>>
      %dma_wait3A_279 = arith.constant 0 : i32
      %dma_wait3A_280 = arith.constant 0 : i32
      %dma_wait3A_281 = tpu.memref_slice %arg8[%dma_wait3A_279, %dma_wait3A_280] : memref<64x128xf32, #tpu.memory_space<vmem>> -> memref<32x128xf32, #tpu.memory_space<vmem>>
      tpu.wait_dma2 semaphore(%arg21 : memref<!tpu.dma_semaphore, #tpu.memory_space<semaphore_mem>>) src(%dma_wait3A_281 : memref<32x128xf32, #tpu.memory_space<vmem>>) dst(%dma_wait3A_278 : memref<32x128xf32, #tpu.memory_space<hbm>>)
      %dma_wait3A_282 = arith.constant 0 : i32
      %dma_wait3A_283 = arith.constant 0 : i32
      %dma_wait3A_284 = tpu.memref_slice %arg8[%dma_wait3A_282, %dma_wait3A_283] : memref<64x128xf32, #tpu.memory_space<vmem>> -> memref<32x128xf32, #tpu.memory_space<vmem>>
      %dma_wait3A_285 = arith.constant 0 : i32
      %dma_wait3A_286 = arith.constant 0 : i32
      %dma_wait3A_287 = tpu.memref_slice %arg7[%dma_wait3A_285, %dma_wait3A_286] : memref<10000x128xf32, #tpu.memory_space<hbm>> -> memref<32x128xf32, #tpu.memory_space<hbm>>
      %dma_wait3A_288 = arith.constant 0 : i32
      %dma_wait3A_289 = arith.constant 0 : i32
      %dma_wait3A_290 = tpu.memref_slice %arg7[%dma_wait3A_288, %dma_wait3A_289] : memref<10000x128xf32, #tpu.memory_space<hbm>> -> memref<32x128xf32, #tpu.memory_space<hbm>>
      %dma_wait3A_291 = arith.constant 0 : i32
      %dma_wait3A_292 = arith.constant 0 : i32
      %dma_wait3A_293 = tpu.memref_slice %arg8[%dma_wait3A_291, %dma_wait3A_292] : memref<64x128xf32, #tpu.memory_space<vmem>> -> memref<32x128xf32, #tpu.memory_space<vmem>>
      tpu.wait_dma2 semaphore(%arg21 : memref<!tpu.dma_semaphore, #tpu.memory_space<semaphore_mem>>) src(%dma_wait3A_293 : memref<32x128xf32, #tpu.memory_space<vmem>>) dst(%dma_wait3A_290 : memref<32x128xf32, #tpu.memory_space<hbm>>)
    } else {
    }
    %barrier3A_155 = arith.constant 0 : index
    tpu.barrier barrier_id(%barrier3A_155)
    %convert_element_type3A_156 = arith.extui %eq3A_1 : i1 to i32
    %cond3A_157 = arith.constant 0 : i32
    %cond3A_158 = arith.cmpi ne, %convert_element_type3A_156, %cond3A_157 : i32
    scf.if %cond3A_158 {
      "tpu.region"() ({
        %run_scoped3A = tpu.sem_alloc : memref<!tpu.dma_semaphore, #tpu.memory_space<semaphore_mem>>
        %dma_start3A_162 = arith.constant 0 : i32
        %dma_start3A_163 = arith.constant 0 : i32
        %dma_start3A_164 = tpu.memref_slice %arg6[%dma_start3A_162, %dma_start3A_163] : memref<10000x128xf32, #tpu.memory_space<hbm>> -> memref<10000x128xf32, #tpu.memory_space<hbm>>
        tpu.enqueue_indirect_dma source(%arg13 : memref<32x128xf32, #tpu.memory_space<vmem>>) target(%dma_start3A_164 : memref<10000x128xf32, #tpu.memory_space<hbm>>) offsets(%arg15 : memref<32xi32, #tpu.memory_space<vmem>>) semaphore(%run_scoped3A : memref<!tpu.dma_semaphore, #tpu.memory_space<semaphore_mem>>)
        %dma_wait3A_165 = arith.constant 0 : i32
        %dma_wait3A_166 = arith.constant 0 : i32
        %dma_wait3A_167 = tpu.memref_slice %arg6[%dma_wait3A_165, %dma_wait3A_166] : memref<10000x128xf32, #tpu.memory_space<hbm>> -> memref<10000x128xf32, #tpu.memory_space<hbm>>
        tpu.wait_indirect_dma semaphore(%run_scoped3A : memref<!tpu.dma_semaphore, #tpu.memory_space<semaphore_mem>>) src(%arg13 : memref<32x128xf32, #tpu.memory_space<vmem>>) dst(%dma_wait3A_167 : memref<10000x128xf32, #tpu.memory_space<hbm>>)
        tpu.yield
      }) : () -> ()
    } else {
    }
    %convert_element_type3A_159 = arith.extui %eq3A_3 : i1 to i32
    %cond3A_160 = arith.constant 0 : i32
    %cond3A_161 = arith.cmpi ne, %convert_element_type3A_159, %cond3A_160 : i32
    scf.if %cond3A_161 {
      %dma_start3A_162 = arith.constant 0 : i32
      %dma_start3A_163 = arith.constant 0 : i32
      %dma_start3A_164 = tpu.memref_slice %arg7[%dma_start3A_162, %dma_start3A_163] : memref<10000x128xf32, #tpu.memory_space<hbm>> -> memref<10000x128xf32, #tpu.memory_space<hbm>>
      tpu.enqueue_indirect_dma source(%arg13 : memref<32x128xf32, #tpu.memory_space<vmem>>) target(%dma_start3A_164 : memref<10000x128xf32, #tpu.memory_space<hbm>>) offsets(%arg15 : memref<32xi32, #tpu.memory_space<vmem>>) semaphore(%arg24 : memref<!tpu.dma_semaphore, #tpu.memory_space<semaphore_mem>>)
      %dma_wait3A_165 = arith.constant 0 : i32
      %dma_wait3A_166 = arith.constant 0 : i32
      %dma_wait3A_167 = tpu.memref_slice %arg7[%dma_wait3A_165, %dma_wait3A_166] : memref<10000x128xf32, #tpu.memory_space<hbm>> -> memref<10000x128xf32, #tpu.memory_space<hbm>>
      tpu.wait_indirect_dma semaphore(%arg24 : memref<!tpu.dma_semaphore, #tpu.memory_space<semaphore_mem>>) src(%arg13 : memref<32x128xf32, #tpu.memory_space<vmem>>) dst(%dma_wait3A_167 : memref<10000x128xf32, #tpu.memory_space<hbm>>)
    } else {
    }
    return
  }
}

</mosaic_0001>

<sc_bundles>
// kernel: kernel.3.cloned.1.call-start
scs
__scs_entry_jumppad:
0x0: {  	(pc) =	sbr.rel $0x88, $3  }
0x1: {  	(tag) =	ssettag $0x0;
	lr =	simm.s32 $0x1  }
0x2: {  	[smem:$0x3F9D] =	sst lr;
	_ =	strace $0xD0000000  }
0x3: {  	_ = 	snop  }
0x4: {  	_ = 	snop  }
0x5: {  	_ = 	snop  }
0x6: {  	_ = 	snop  }
0x7: {  	_ = 	snop  }
__scs_overlays_trampoline_lowered:
0x8: {  	[smem:$0x3FAC] =	sst s0  }
0x9: {  	[smem:$0x3FAD] =	sst s1  }
0xa: {  	[smem:$0x3FAE] =	sst s2  }
0xb: {  	[smem:$0x3FAF] =	sst s3  }
0xc: {  	[smem:$0x3FB0] =	sst s4  }
0xd: {  	[smem:$0x3FB1] =	sst s5  }
0xe: {  	[smem:$0x3FB2] =	sst s6  }
0xf: {  	[smem:$0x3FB3] =	sst s7  }
0x10: {  	[smem:$0x3FB4] =	sst s8  }
0x11: {  	[smem:$0x3FB5] =	sst s9;
	s0 =	simm.s32 @!p0 $0x0  }
0x12: {  	s1 =	sld [smem:$0x3F9B];
	s0 =	simm.s32 @p0 $0x1  }
0x13: {  	[smem:$0x3FB6] =	sst s0;
	s0 =	simm.s32 @!p1 $0x0  }
0x14: {  	s2 =	sld [smem:$0x3F9A];
	s0 =	simm.s32 @p1 $0x1  }
0x15: {  	[smem:$0x3FB7] =	sst s0;
	s0 =	simm.s32 @!p2 $0x0  }
0x16: {  	s3 =	sld [smem:$0x3FDB];
	s0 =	simm.s32 @p2 $0x1  }
0x17: {  	s4 =	simm.s32 $0x1BF5;
	[smem:$0x3FB9] =	sst s0  }
0x18: {  	s0 =	sld [smem:$0x3F9C];
	_ =	swait.ge [sflag:s4], $0x0  }
0x19: {  	s7 =	sld [smem:$0x3F9D]  }
0x1a: {  	s8 =	sadd.s32 $0xFFFFE003, lr  }
0x1b: {  	s9 =	sadd.s32 $0xFFFFFEF7, lr;
	s5 =	simm.s32 $0xFFFFFFFF;
	p2 =	slt.u32 s8, $0xFFFFF086  }
0x1c: {  	p1 =	slt.u32 s9, $0xF7A;
	s5 =	simm.s32 @!p2 $0x0  }
0x1d: {  	s5 =	simm.s32 @p1 $0x1;
	p0 =	seq.s32 s7, s2  }
0x1e: {  	s7 =	smul.u32 @!p0 $0xF7A, s2;
	p2 =	seq.s32 @!p0 s5, $0x0  }
0x1f: {  	s9 =	smul.u32 $0xF7A, s1;
	s8 =	simm.s32 @!p0 $0x1BF5;
	p2 =	por !p2, p0  }
0x20: {  	[sflag:s8] =	ssyncset.s32 @!p0 $0xFFFFF086;
	s6 =	sadd.s32 @!p0 s3, s7;
	s7 =	simm.s32 @!p0 $0x108  }
0x21: {  	s3 =	sadd.s32 s3, s9;
	s6 =	sadd.s32 @!p0 $0x88, s6;
	s7 =	simm.s32 @p2 $0x1082  }
0x22: {  	[simem:s7], [sflag:s8] =	dma.local @!p0 [hbm:s6], $0xF7A  }
0x23: {  	s9 =	sor.u32 $0xD0000000, s2;
	s6 =	simm.s32 $0x108;
	_ =	swait.ge @!p0 [sflag:s8], $0x0  }
0x24: {  	s3 =	sadd.s32 $0x88, s3;
	s6 =	simm.s32 @!p1 $0x1082;
	[sflag:s4] =	ssyncset.s32 $0xFFFFF086  }
0x25: {  	[simem:s6], [sflag:s4] =	dma.local [hbm:s3], $0xF7A  }
0x26: {  	[smem:$0x3F9D] =	sst s1;
	(tag) =	ssettag s2;
	_ =	strace s9  }
0x27: {  	s1 =	sld [smem:$0x3FAD]  }
0x28: {  	s2 =	sld [smem:$0x3FAE]  }
0x29: {  	s4 =	sld [smem:$0x3FB0]  }
0x2a: {  	p0 =	seq.s32 s5, $0x0;
	s5 =	sld [smem:$0x3FB1]  }
0x2b: {  	s6 =	sld [smem:$0x3FB2]  }
0x2c: {  	s7 =	sld [smem:$0x3FB3]  }
0x2d: {  	s3 =	simm.s32 $0x108;
	s8 =	sld [smem:$0x3FB4]  }
0x2e: {  	s3 =	simm.s32 @!p0 $0x1082;
	s9 =	sld [smem:$0x3FB5]  }
0x2f: {  	lr =	sadd.s32 s0, s3;
	s0 =	sld [smem:$0x3FAC]  }
0x30: {  	s3 =	sld [smem:$0x3FAF]  }
0x31: {  	[smem:$0x3FB8] =	sst s10  }
0x32: {  	s10 =	sld [smem:$0x3FB6];
	_ =	sdelay $0x3  }
0x33: {  	p0 =	seq.s32 s10, $0x1;
	s10 =	sld [smem:$0x3FB8];
	_ =	sdelay $0x3  }
0x34: {  	[smem:$0x3FB8] =	sst s10  }
0x35: {  	s10 =	sld [smem:$0x3FB7];
	_ =	sdelay $0x3  }
0x36: {  	p1 =	seq.s32 s10, $0x1;
	s10 =	sld [smem:$0x3FB8];
	_ =	sdelay $0x3  }
0x37: {  	[smem:$0x3FB8] =	sst s10  }
0x38: {  	s10 =	sld [smem:$0x3FB9]  }
0x39: {  	_ = 	snop;
	(pc) =	sbr.ind lr, $3  }
0x3a: {  	_ = 	snop  }
0x3b: {  	_ = 	snop  }
0x3c: {  	p2 =	seq.s32 s10, $0x1;
	s10 =	sld [smem:$0x3FB8]  }
0x3d: {  	_ =	shalt  }
0x3e: {  	_ =	shalt  }
0x3f: {  	_ =	shalt  }
0x40: {  	_ =	shalt  }
0x41: {  	_ =	shalt  }
0x42: {  	_ =	shalt  }
0x43: {  	_ =	shalt  }
0x44: {  	_ =	shalt  }
0x45: {  	_ =	shalt  }
0x46: {  	_ =	shalt  }
0x47: {  	_ =	shalt  }
0x48: {  	_ =	shalt  }
0x49: {  	_ =	shalt  }
0x4a: {  	_ =	shalt  }
0x4b: {  	_ =	shalt  }
0x4c: {  	_ =	shalt  }
0x4d: {  	_ =	shalt  }
0x4e: {  	_ =	shalt  }
0x4f: {  	_ =	shalt  }
0x50: {  	_ =	shalt  }
0x51: {  	_ =	shalt  }
0x52: {  	_ =	shalt  }
0x53: {  	_ =	shalt  }
0x54: {  	_ =	shalt  }
0x55: {  	_ =	shalt  }
0x56: {  	_ =	shalt  }
0x57: {  	_ =	shalt  }
0x58: {  	_ =	shalt  }
0x59: {  	_ =	shalt  }
0x5a: {  	_ =	shalt  }
0x5b: {  	_ =	shalt  }
0x5c: {  	_ =	shalt  }
0x5d: {  	_ =	shalt  }
0x5e: {  	_ =	shalt  }
0x5f: {  	_ =	shalt  }
0x60: {  	_ =	shalt  }
0x61: {  	_ =	shalt  }
0x62: {  	_ =	shalt  }
0x63: {  	_ =	shalt  }
0x64: {  	_ =	shalt  }
0x65: {  	_ =	shalt  }
0x66: {  	_ =	shalt  }
0x67: {  	_ =	shalt  }
0x68: {  	_ =	shalt  }
0x69: {  	_ =	shalt  }
0x6a: {  	_ =	shalt  }
0x6b: {  	_ =	shalt  }
0x6c: {  	_ =	shalt  }
0x6d: {  	_ =	shalt  }
0x6e: {  	_ =	shalt  }
0x6f: {  	_ =	shalt  }
0x70: {  	_ =	shalt  }
0x71: {  	_ =	shalt  }
0x72: {  	_ =	shalt  }
0x73: {  	_ =	shalt  }
0x74: {  	_ =	shalt  }
0x75: {  	_ =	shalt  }
0x76: {  	_ =	shalt  }
0x77: {  	_ =	shalt  }
0x78: {  	_ =	shalt  }
0x79: {  	_ =	shalt  }
0x7a: {  	_ =	shalt  }
0x7b: {  	_ =	shalt  }
0x7c: {  	_ =	shalt  }
0x7d: {  	_ =	shalt  }
0x7e: {  	_ =	shalt  }
0x7f: {  	_ =	shalt  }
0x80: {  	_ =	shalt  }
0x81: {  	_ =	shalt  }
0x82: {  	_ =	shalt  }
0x83: {  	_ =	shalt  }
0x84: {  	_ =	shalt  }
0x85: {  	_ =	shalt  }
0x86: {  	_ =	shalt  }
0x87: {  	_ =	shalt  }
.Lfunc_end0:
.L_simem_size_0:
called_computation_lowered:
.L_overlay_start_0:
0x88: {  	s2 =	sld [smem:$0x3FD9]  }
0x89: {  	s3 =	sld [smem:$0x3FFE];
	_ =	sdelay $0x1  }
0x8a: {  	s1 =	srdreg.scid  }
0x8b: {  	s0 =	sand.u32 $0x1, s1  }
0x8c: {  	s15 =	sshll.u32 s0, $0xA;
	s2 =	sadd.s32 s3, s2  }
0x8d: {  	s2 =	sadd.s32 s2, s15  }
0x8e: {  	[smem:$0x3FC4] =	sst s2  }
0x8f: {  	_ = 	snop  }
0x90: {  	s2 =	sld [smem:$0x3FC9]  }
0x91: {  	s16 =	sld [smem:$0x3FD0]  }
0x92: {  	s4 =	sld [smem:$0x3FC8]  }
0x93: {  	s5 =	sld [smem:$0x3FC7]  }
0x94: {  	s7 =	simm.s32 $0xA;
	s8 =	simm.s32 $0x10;
	s6 =	sld [smem:$0x3FC6]  }
0x95: {  	[smem:s8], [sflag:s7] =	dma.local [hbm:s16], $0x1  }
0x96: {  	_ =	swait.eq [sflag:s7], $0x1  }
0x97: {  	[sflag:s7] =	ssyncset.done $0x0  }
0x98: {  	s17 =	sld [smem:$0x10];
	[sflag:s7] =	ssyncadd.s32 $0xFFFFFFFF  }
0x99: {  	s18 =	sld [smem:$0x11];
	(tm) =	ssettm $0x1  }
0x9a: {  	s19 =	sld [smem:$0x3FFB];
	_ =	sdelay $0x3  }
0x9b: {  	_ =	strace s19  }
0x9c: {  	s8 =	sld [smem:$0x3FFC];
	_ =	sdelay $0x3  }
0x9d: {  	_ =	strace s8  }
0x9e: {  	s8 =	sld [smem:$0x3FFD];
	_ =	sdelay $0x3  }
0x9f: {  	_ =	strace s8  }
0xa0: {  	_ =	strace $0x8FFFFFFF  }
0xa1: {  	s20 =	sld [smem:$0x3FDB];
	_ =	sdelay $0x1  }
0xa2: {  	s9 =	simm.s32 $_scs_section_size  }
0xa3: {  	s10 =	simm.s32 $_size__tile_overlayer_lowered;
	s11 =	simm.s32 $_tile_overlayer_lowered  }
0xa4: {  	s23 =	simm.s32 $0x1BFF;
	s22 =	sshll.u32 s11, $0x1;
	s8 =	sadd.s32 s9, s20  }
0xa5: {  	s12 =	simm.s32 $0x0;
	s21 =	sshll.u32 s10, $0x1;
	s10 =	sadd.s32 s22, s8  }
0xa6: {  	[timem:s12], [sflag:s23] =	dma.local [hbm:s10], s21  }
0xa7: {  	_ =	swait.ge [sflag:s23], s21  }
0xa8: {  	s9 =	ssub.s32 $0x0, s21;
	[sflag:s23] =	ssyncset.done $0x0  }
0xa9: {  	[sflag:s23] =	ssyncadd.s32 s9;
	_ =	sdelay $0x1  }
0xaa: {  	s24 =	simm.s32 $0x1B8B  }
0xab: {  	_ =	swait.ge [sflag:s24], $0x1  }
0xac: {  	[sflag:s24] =	ssyncset.done $0x0  }
0xad: {  	s25 =	simm.s32 $0x1B8E;
	[sflag:s24] =	ssyncadd.s32 $0xFFFFFFFF  }
0xae: {  	s26 =	simm.s32 $execute0_lowered;
	[smem:$0x3FD2] =	sst s25  }
0xaf: {  	s9 =	sshll.u32 s26, $0x1;
	_ =	strace $0x80000046;
	[dreg:$0x1] =	wrdreg $0xFFFFFFFF  }
0xb0: {  	s28 =	simm.s32 $_size_execute0_lowered;
	s8 =	sadd.s32 s8, s9;
	[dreg:$0x0] =	wrdreg $0x0  }
0xb1: {  	s9 =	sshll.u32 s28, $0x1;
	[dreg:$0x2] =	wrdreg s8  }
0xb2: {  	[dreg:$0x3] =	wrdreg s9  }
0xb3: {  	[dreg:$0x4] =	wrdreg $0xC0  }
0xb4: {  	_ =	task [dreg:s12], $0x5FFFF  }
0xb5: {  	[dreg:$0x1] =	wrdreg $0xFFFFFFFF  }
0xb6: {  	[dreg:$0x0] =	wrdreg $0x60  }
0xb7: {  	[dreg:$0x2] =	wrdreg s2  }
0xb8: {  	[dreg:$0x3] =	wrdreg s4  }
0xb9: {  	[dreg:$0x4] =	wrdreg s5  }
0xba: {  	[dreg:$0x5] =	wrdreg s6  }
0xbb: {  	[dreg:$0x6] =	wrdreg s17  }
0xbc: {  	[dreg:$0x7] =	wrdreg s18  }
0xbd: {  	[dreg:$0x8] =	wrdreg $0x76000  }
0xbe: {  	[dreg:$0x9] =	wrdreg $0x1AE800  }
0xbf: {  	[dreg:$0xa] =	wrdreg $0x9  }
0xc0: {  	_ =	task.clear_ibuf [dreg:s12], $0xBFFFF;
	_ =	strace $0x90000046  }
0xc1: {  	s29 =	simm.s32 $0x9;
	_ =	strace $0x80000048  }
0xc2: {  	_ =	swait.ge [sflag:s29], $0x1  }
0xc3: {  	[sflag:s29] =	ssyncadd.s32 $0xFFFFFFFF  }
0xc4: {  	_ =	strace $0x90000048  }
0xc5: {  	_ =	sfence  }
0xc6: {  	s30 =	sld [smem:$0x0];
	_ =	sdelay $0x2  }
0xc7: {  	s31 =	sshll.u32 s1, $0xD;
	s1 =	sshrl.u32 s1, $0x2  }
0xc8: {  	s3 =	sand.u32 $0x4000, s31;
	s1 =	sadd.s32 s1, s30  }
0xc9: {  	s0 =	sor.u32 s3, s0;
	s1 =	sshll.u32 s1, $0x11  }
0xca: {  	s0 =	sor.u32 s1, s0  }
0xcb: {  	s0 =	sadd.s32 $0x8F2B, s0  }
0xcc: {  	[sflag:s0] =	ssyncadd.remote.s32 $0x1  }
0xcd: {  	_ =	sfence.sel $0xFFFF  }
0xce: {  	[dreg:$0x0] =	wrdreg $0xFFFFFFFF;
	(pc) =	sbr.abs _section_cstart, $3  }
0xcf: {  	[dreg:$0x1] =	wrdreg $0xFFFFFFFF  }
0xd0: {  	_ =	task.clear_ibuf [dreg:s12], $0x2FFFF;
	_ =	strace $0x9FFFFFFF  }
0xd1: {  	(tm) =	ssettm $0x7FFFFFFF  }
tec
execute0_lowered:
.L_overlay_start_1:
0x0: {  	(tag) =	ssettag $0x1  }
0x1: {  	s0 =	rddreg [dreg:$0x2]  }
0x2: {  	s18 =	rddreg [dreg:$0x4]  }
0x3: {  	s19 =	rddreg [dreg:$0x5]  }
0x4: {  	s6 =	rddreg [dreg:$0x6]  }
0x5: {  	s7 =	rddreg [dreg:$0x7]  }
0x6: {  	s8 =	simm.s32 $0x0;
	s1 =	srdreg.scid;
	s12 =	stileid.u32  }
0x7: {  	[smem:$0x7FF] =	sst s8;
	s1 =	sand.u32 $0x1, s1;
	s11 =	smul.u32 $0x2700, s12  }
0x8: {  	s4 =	sshll.u32 s12, $0x5;
	s5 =	sshll.u32 s12, $0x6;
	s16 =	smul.u32 $0x13800, s12  }
0x9: {  	s17 =	sshll.u32 s12, $0x9;
	_ =	strace $0x80000047;
	s2 =	ssub.s32 $0x2, s1  }
0xa: {  	s9 =	sand.u32 $0x60, s4;
	s5 =	sand.u32 $0x300, s5;
	p0 =	seq.s32 s1, $0x0  }
0xb: {  	s0 =	sadd.s32 s0, s17;
	s3 =	sshrl.u32 s2, $0x1;
	s15 =	sor.u32 s9, s5  }
0xc: {  	[dreg:$0x9] =	wrdreg s0;
	s20 =	sadd.s32 s19, s11;
	s0 =	sshrl.u32 s16, $0x3  }
0xd: {  	s26 =	sadd.s32 s18, s11;
	s11 =	sor.u32 $0x10, s4;
	s2 =	ssub.s32 s2, s3  }
0xe: {  	s10 =	sor.u32 $0x7000, s15;
	[dreg:$0xa] =	wrdreg s20;
	s21 =	sadd.s32 $0x800, s0  }
0xf: {  	s5 =	sadd.s32 $0xC00, s0;
	s22 =	sadd.s32 $0x1000, s0;
	s23 =	sadd.s32 $0x1400, s0  }
0x10: {  	s17 =	sadd.s32 $0x1800, s0;
	s24 =	sadd.s32 $0x400, s0;
	[dreg:$0xd] =	wrdreg s26  }
0x11: {  	s12 =	sadd.s32 $0x1C00, s0;
	s20 =	sadd.s32 s19, s0;
	v1 =	vmov s11;
	s11 =	simm.s32 $0x0  }
0x12: {  	s13 =	sadd.s32 s19, s5;
	s14 =	sadd.s32 s19, s22;
	s15 =	sadd.s32 s19, s23  }
0x13: {  	s16 =	sadd.s32 s18, s21;
	s5 =	sadd.s32 s18, s5;
	s9 =	sadd.s32 s18, s23  }
0x14: {  	s25 =	sadd.s32 s19, s24;
	s3 =	sadd.s32 s19, s21;
	s21 =	sxor.u32 $0x1F4, s4  }
0x15: {  	s4 =	sadd.s32 $0x2600, s20;
	s23 =	sadd.s32 s18, s17;
	s31 =	smax.u32 s2, $0x1  }
0x16: {  	s2 =	simm.s32 $0x20;
	s13 =	smov.u32 @p0 s16;
	s14 =	smov.u32 @p0 s5  }
0x17: {  	s16 =	sadd.s32 s19, s17;
	s5 =	sadd.s32 s18, s22;
	[dreg:$0xb] =	wrdreg s25  }
0x18: {  	[dreg:$0xc] =	wrdreg s3;
	s22 =	sadd.s32 $0x2000, s0;
	s0 =	sadd.s32 $0x2400, s0  }
0x19: {  	v0 =	vlaneseq.u32;
	[dreg:$0xf] =	wrdreg s4;
	s25 =	sadd.s32 s18, s12;
	s3 =	simm.s32 $0x7400  }
0x1a: {  	v0 =	vmul.u32 $0xFFFFFFFF, v0;
	s4 =	simm.s32 $0x2;
	s15 =	smov.u32 @p0 s5;
	s16 =	smov.u32 @p0 s9  }
0x1b: {  	s9 =	sadd.s32 s18, s24;
	p0 =	sne.s32 s1, $0x0;
	s24 =	sadd.s32 s19, s12  }
0x1c: {  	v0 =	vadd.s32 $0x1F4, v0;
	s26 =	sadd.s32 s19, s22;
	s28 =	sadd.s32 s18, s22;
	s29 =	sadd.s32 s19, s0  }
0x1d: {  	vm0 =	vlt.u32 v1, v0;
	v0 =	vimm.f32 $0.0e+00;
	s30 =	sadd.s32 s18, s0;
	s5 =	simm.s32 $0x3;
	s0 =	simm.s32 $0x7500  }
0x1e: {  	v2 =	vimm.f32 $1.000000000e+00;
	v3 =	vimm.s32 $0x0;
	v1 =	vsel vm0, $0x3F800000, v0;
	s1 =	simm.s32 $0x1;
	[dreg:$0xe] =	wrdreg s9;
	s9 =	simm.s32 $0x4  }
.LBB2_1:
0x1f: {  	s12 =	rddreg [dreg:$0x3];
	s17 =	simm.s32 $0x7000  }
0x20: {  	[tilespmem:s17], [sflag:$0x4] =	stream.linear.gather [hbm4b:s12+s8], $0x400, $0x38;
	[tilespmem:$0x1B0F8] =	vst v63  }
0x21: {  	s12 =	simm.s32 $0x0;
	s17 =	simm.s32 $0x200  }
.LBB2_2:
0x22: {  	p1 =	sne.s32 s17, $0x7E00;
	[tilespmem:s12+$0x70] =	vst v0  }
0x23: {  	[tilespmem:s12+$0x0] =	vst v0  }
0x24: {  	[tilespmem:s12+$0x10] =	vst v0  }
.Ltmp0:
0x25: {  	[tilespmem:s12+$0x20] =	vst v0;
	(pc) =	sbr.rel @p1 .LBB2_2-.Ltmp0, $4  }
0x26: {  	[tilespmem:s12+$0x30] =	vst v0  }
0x27: {  	[tilespmem:s12+$0x40] =	vst v0  }
0x28: {  	[tilespmem:s12+$0x50] =	vst v0  }
0x29: {  	[tilespmem:s12+$0x60] =	vst v0;
	s12 =	sshra.s32 s17, $0x2;
	s17 =	sadd.s32 $0x200, s17  }
0x2a: {  	[tilespmem:s12+$0x70] =	vst v0  }
0x2b: {  	[tilespmem:s12+$0x0] =	vst v0  }
0x2c: {  	[tilespmem:s12+$0x10] =	vst v0  }
0x2d: {  	[tilespmem:s12+$0x20] =	vst v0  }
0x2e: {  	[tilespmem:s12+$0x30] =	vst v0  }
0x2f: {  	[tilespmem:s12+$0x40] =	vst v0  }
0x30: {  	[tilespmem:s12+$0x50] =	vst v0  }
0x31: {  	[tilespmem:s12+$0x60] =	vst v0  }
0x32: {  	_ =	swait.ge [sflag:s9], $0x400  }
0x33: {  	[sflag:s9] =	ssyncset.done $0x0  }
0x34: {  	[sflag:s9] =	ssyncadd.s32 $0xFFFFFC00  }
0x35: {  	v4 =	vld @p0 [tilespmem:s10+$0x80];
	_ =	sdelay $0x4  }
0x36: {  	[tilespmem:$0x7400] =	vst @p0 v4  }
0x37: {  	v4 =	vld @p0 [tilespmem:s10+$0x0];
	_ =	sdelay $0x4  }
0x38: {  	[tilespmem:$0x7480] =	vst @p0 v4  }
0x39: {  	v4 =	vld @p0 [tilespmem:s10+$0x90];
	_ =	sdelay $0x4  }
0x3a: {  	[tilespmem:$0x7410] =	vst @p0 v4  }
0x3b: {  	v4 =	vld @p0 [tilespmem:s10+$0x10];
	_ =	sdelay $0x3  }
0x3c: {  	s12 =	simm.s32 @p0 $0x20  }
0x3d: {  	s17 =	simm.s32 @p0 $0x7400;
	s18 =	simm.s32 @p0 $0x5000;
	s20 =	rddreg [dreg:$0x1];
	[tilespmem:$0x7490] =	vst @p0 v4  }
0x3e: {  	[tilespmem:s18], [sflag:$0x4] =	stream.indirect.gather @p0 [hbm4b:s20+s12], $0x80, s17, s12, $0xb8;
	[tilespmem:$0x1B0F8] =	vst v63  }
0x3f: {  	s19 =	rddreg [dreg:$0x0];
	s17 =	simm.s32 @p0 $0x7480;
	s18 =	simm.s32 @p0 $0x2000  }
0x40: {  	[tilespmem:s18], [sflag:$0x2] =	stream.indirect.gather @p0 [hbm4b:s19+s12], $0x80, s17, s12, $0xb8;
	[tilespmem:$0x1B0F8] =	vst v63  }
0x41: {  	v4 =	vld @!p0 [tilespmem:s10+$0x0];
	_ =	sdelay $0x4  }
0x42: {  	[tilespmem:$0x7400] =	vst @!p0 v4  }
0x43: {  	v4 =	vld @!p0 [tilespmem:s10+$0x80];
	_ =	sdelay $0x4  }
0x44: {  	[tilespmem:$0x7480] =	vst @!p0 v4  }
0x45: {  	v4 =	vld @!p0 [tilespmem:s10+$0x10];
	_ =	sdelay $0x4  }
0x46: {  	[tilespmem:$0x7410] =	vst @!p0 v4  }
0x47: {  	v4 =	vld @!p0 [tilespmem:s10+$0x90];
	_ =	sdelay $0x4  }
0x48: {  	s12 =	simm.s32 @!p0 $0x20;
	s17 =	simm.s32 @!p0 $0x7480;
	s18 =	simm.s32 @!p0 $0x2000;
	[tilespmem:$0x7490] =	vst @!p0 v4  }
0x49: {  	[tilespmem:s18], [sflag:$0x2] =	stream.indirect.gather @!p0 [hbm4b:s20+s12], $0x80, s17, s12, $0xb8;
	[tilespmem:$0x1B0F8] =	vst v63  }
0x4a: {  	s17 =	simm.s32 @!p0 $0x7400;
	s18 =	simm.s32 @!p0 $0x5000  }
0x4b: {  	[tilespmem:s18], [sflag:$0x4] =	stream.indirect.gather @!p0 [hbm4b:s19+s12], $0x80, s17, s12, $0xb8;
	[tilespmem:$0x1B0F8] =	vst v63  }
0x4c: {  	s22 =	simm.s32 $0x3000;
	s20 =	rddreg [dreg:$0x9]  }
0x4d: {  	[tilespmem:s22], [sflag:$0x2] =	stream.linear.gather [hbm4b:s20+s8], $0x1000, $0x38;
	[tilespmem:$0x1B0F8] =	vst v63  }
0x4e: {  	_ = 	snop  }
0x4f: {  	[spmem:s6] =	stream.indirect.scatter [tilespmem:s8], [sflag:$0x3], $0x80, s3, s2, $0xb8;
	[tilespmem:$0x1B0F8] =	vst v63  }
0x50: {  	_ = 	snop  }
0x51: {  	[spmem:s7] =	stream.indirect.scatter [tilespmem:s8], [sflag:$0x3], $0x1, s3, s2, $0xb8;
	[tilespmem:$0x1B0F8] =	vst v63  }
0x52: {  	s12 =	simm.s32 @p0 $0x0;
	s17 =	rddreg [dreg:$0xa]  }
0x53: {  	[hbm4b:s17+s12] =	stream.linear.scatter @p0 [tilespmem:s12], [sflag:$0x1], $0x2000, $0x38;
	[tilespmem:$0x1B0F8] =	vst v63  }
0x54: {  	s17 =	rddreg [dreg:$0xb]  }
0x55: {  	[hbm4b:s17+s12] =	stream.linear.scatter @p0 [tilespmem:s12], [sflag:$0x1], $0x2000, $0x38;
	[tilespmem:$0x1B0F8] =	vst v63  }
0x56: {  	s17 =	rddreg [dreg:$0xc]  }
0x57: {  	[hbm4b:s17+s12] =	stream.linear.scatter @p0 [tilespmem:s12], [sflag:$0x1], $0x2000, $0x38;
	[tilespmem:$0x1B0F8] =	vst v63  }
0x58: {  	s12 =	simm.s32 @p0 $0x2  }
0x59: {  	_ =	swait.ge @p0 [sflag:s12], $0x800  }
0x5a: {  	[sflag:s12] =	ssyncset.done @p0 $0x0  }
0x5b: {  	[sflag:s12] =	ssyncadd.s32 @p0 $0xFFFFF800  }
0x5c: {  	_ =	swait.ge @p0 [sflag:s12], $0x800  }
0x5d: {  	[sflag:s12] =	ssyncset.done @p0 $0x0  }
0x5e: {  	s17 =	rddreg [dreg:$0xd];
	[sflag:s12] =	ssyncadd.s32 @p0 $0xFFFFF800;
	s12 =	simm.s32 @!p0 $0x0  }
0x5f: {  	[hbm4b:s17+s12] =	stream.linear.scatter @!p0 [tilespmem:s12], [sflag:$0x1], $0x2000, $0x38;
	[tilespmem:$0x1B0F8] =	vst v63  }
0x60: {  	s17 =	rddreg [dreg:$0xe]  }
0x61: {  	[hbm4b:s17+s12] =	stream.linear.scatter @!p0 [tilespmem:s12], [sflag:$0x1], $0x2000, $0x38;
	[tilespmem:$0x1B0F8] =	vst v63  }
0x62: {  	s12 =	simm.s32 @!p0 $0x2  }
0x63: {  	_ =	swait.ge @!p0 [sflag:s12], $0x1000  }
0x64: {  	[sflag:s12] =	ssyncset.done @!p0 $0x0  }
0x65: {  	[sflag:s12] =	ssyncadd.s32 @!p0 $0xFFFFF000  }
0x66: {  	_ =	swait.ge [sflag:s4], $0x1000  }
0x67: {  	[sflag:s4] =	ssyncset.done $0x0  }
0x68: {  	[sflag:s4] =	ssyncadd.s32 $0xFFFFF000  }
0x69: {  	_ =	swait.ge [sflag:s5], $0x1000  }
0x6a: {  	[sflag:s5] =	ssyncset.done $0x0  }
0x6b: {  	[sflag:s5] =	ssyncadd.s32 $0xFFFFF000  }
0x6c: {  	_ =	swait.ge [sflag:s5], $0x20  }
0x6d: {  	[sflag:s5] =	ssyncset.done $0x0  }
0x6e: {  	[sflag:s5] =	ssyncadd.s32 $0xFFFFFFE0  }
0x6f: {  	s12 =	simm.s32 $0x2040;
	[bflag:$0x0] =	sbarrier.arrive $0xFFFF  }
0x70: {  	s17 =	simm.s32 $0x3040;
	v4 =	vld [tilespmem:s12+$0xFFFFFFC0]  }
0x71: {  	s19 =	simm.s32 $0x0;
	s18 =	simm.s32 $0x2040;
	s20 =	simm.s32 $0x1;
	v5 =	vld [tilespmem:s17+$0xFFFFFFC0]  }
.LBB2_4:
0x72: {  	p1 =	sne.s32 s20, $0x1F;
	_ =	sdelay $0x3  }
0x73: {  	p2 =	slt.u32 s19, s21;
	s19 =	smov.u32 s20;
	s22 =	simm.f32 $1.000000000e+00;
	v4 =	vmul.f32 v5, v4  }
0x74: {  	s22 =	simm.s32 @!p2 $0x0  }
0x75: {  	v4 =	vmul.f32 s22, v4;
	_ =	sdelay $0x1  }
0x76: {  	[tilespmem:s12+$0xFFFFFFC0] =	vst v4;
	v4 =	vld [tilespmem:s12+$0xFFFFFFD0]  }
0x77: {  	v5 =	vld [tilespmem:s17+$0xFFFFFFD0];
	_ =	sdelay $0x4  }
0x78: {  	v4 =	vmul.f32 v5, v4;
	_ =	sdelay $0x1  }
0x79: {  	v4 =	vmul.f32 s22, v4;
	_ =	sdelay $0x1  }
0x7a: {  	[tilespmem:s12+$0xFFFFFFD0] =	vst v4;
	v4 =	vld [tilespmem:s12+$0xFFFFFFE0]  }
0x7b: {  	v5 =	vld [tilespmem:s17+$0xFFFFFFE0];
	_ =	sdelay $0x4  }
0x7c: {  	v4 =	vmul.f32 v5, v4;
	_ =	sdelay $0x1  }
0x7d: {  	v4 =	vmul.f32 s22, v4;
	_ =	sdelay $0x1  }
0x7e: {  	[tilespmem:s12+$0xFFFFFFE0] =	vst v4;
	v4 =	vld [tilespmem:s12+$0xFFFFFFF0]  }
0x7f: {  	v5 =	vld [tilespmem:s17+$0xFFFFFFF0];
	_ =	sdelay $0x4  }
0x80: {  	v4 =	vmul.f32 v5, v4;
	_ =	sdelay $0x1  }
0x81: {  	v4 =	vmul.f32 s22, v4;
	_ =	sdelay $0x1  }
0x82: {  	[tilespmem:s12+$0xFFFFFFF0] =	vst v4;
	v4 =	vld [tilespmem:s12+$0x0]  }
0x83: {  	v5 =	vld [tilespmem:s17+$0x0];
	_ =	sdelay $0x4  }
0x84: {  	v4 =	vmul.f32 v5, v4;
	_ =	sdelay $0x1  }
0x85: {  	v4 =	vmul.f32 s22, v4;
	_ =	sdelay $0x1  }
0x86: {  	[tilespmem:s12+$0x0] =	vst v4;
	v4 =	vld [tilespmem:s12+$0x10]  }
0x87: {  	v5 =	vld [tilespmem:s17+$0x10];
	_ =	sdelay $0x4  }
0x88: {  	v4 =	vmul.f32 v5, v4;
	_ =	sdelay $0x1  }
0x89: {  	v4 =	vmul.f32 s22, v4;
	_ =	sdelay $0x1  }
0x8a: {  	[tilespmem:s12+$0x10] =	vst v4;
	v4 =	vld [tilespmem:s12+$0x20]  }
0x8b: {  	v5 =	vld [tilespmem:s17+$0x20];
	_ =	sdelay $0x4  }
0x8c: {  	v4 =	vmul.f32 v5, v4;
	_ =	sdelay $0x1  }
0x8d: {  	v4 =	vmul.f32 s22, v4;
	_ =	sdelay $0x1  }
0x8e: {  	[tilespmem:s12+$0x20] =	vst v4;
	v4 =	vld [tilespmem:s12+$0x30]  }
0x8f: {  	v5 =	vld [tilespmem:s17+$0x30];
	_ =	sdelay $0x4  }
0x90: {  	v4 =	vmul.f32 v5, v4  }
.Ltmp1:
0x91: {  	(pc) =	sbr.rel @p1 .LBB2_4-.Ltmp1, $4  }
0x92: {  	v5 =	vmul.f32 s22, v4  }
0x93: {  	s12 =	sadd.s32 $0x80, s12  }
0x94: {  	s17 =	sadd.s32 $0x80, s17;
	v4 =	vld [tilespmem:s12+$0xFFFFFFC0];
	[tilespmem:s18+$0x30] =	vst v5;
	s18 =	smov.u32 s12  }
0x95: {  	s20 =	sadd.s32 $0x1, s20;
	v5 =	vld [tilespmem:s17+$0xFFFFFFC0]  }
0x96: {  	_ =	sdelay $0x3  }
0x97: {  	p1 =	slt.u32 s19, s21;
	s19 =	simm.f32 $1.000000000e+00;
	v4 =	vmul.f32 v5, v4  }
0x98: {  	s19 =	simm.s32 @!p1 $0x0  }
0x99: {  	v4 =	vmul.f32 s19, v4;
	_ =	sdelay $0x1  }
0x9a: {  	[tilespmem:s12+$0xFFFFFFC0] =	vst v4;
	v4 =	vld [tilespmem:s12+$0xFFFFFFD0]  }
0x9b: {  	v5 =	vld [tilespmem:s17+$0xFFFFFFD0];
	_ =	sdelay $0x4  }
0x9c: {  	v4 =	vmul.f32 v5, v4;
	_ =	sdelay $0x1  }
0x9d: {  	v4 =	vmul.f32 s19, v4;
	_ =	sdelay $0x1  }
0x9e: {  	[tilespmem:s12+$0xFFFFFFD0] =	vst v4;
	v4 =	vld [tilespmem:s12+$0xFFFFFFE0]  }
0x9f: {  	v5 =	vld [tilespmem:s17+$0xFFFFFFE0];
	_ =	sdelay $0x4  }
0xa0: {  	v4 =	vmul.f32 v5, v4;
	_ =	sdelay $0x1  }
0xa1: {  	v4 =	vmul.f32 s19, v4;
	_ =	sdelay $0x1  }
0xa2: {  	[tilespmem:s12+$0xFFFFFFE0] =	vst v4;
	v4 =	vld [tilespmem:s12+$0xFFFFFFF0]  }
0xa3: {  	v5 =	vld [tilespmem:s17+$0xFFFFFFF0];
	_ =	sdelay $0x4  }
0xa4: {  	v4 =	vmul.f32 v5, v4;
	_ =	sdelay $0x1  }
0xa5: {  	v4 =	vmul.f32 s19, v4;
	_ =	sdelay $0x1  }
0xa6: {  	[tilespmem:s12+$0xFFFFFFF0] =	vst v4;
	v4 =	vld [tilespmem:s12+$0x0]  }
0xa7: {  	v5 =	vld [tilespmem:s17+$0x0];
	_ =	sdelay $0x4  }
0xa8: {  	v4 =	vmul.f32 v5, v4;
	_ =	sdelay $0x1  }
0xa9: {  	v4 =	vmul.f32 s19, v4;
	_ =	sdelay $0x1  }
0xaa: {  	[tilespmem:s12+$0x0] =	vst v4;
	v4 =	vld [tilespmem:s12+$0x10]  }
0xab: {  	v5 =	vld [tilespmem:s17+$0x10];
	_ =	sdelay $0x4  }
0xac: {  	v4 =	vmul.f32 v5, v4;
	_ =	sdelay $0x1  }
0xad: {  	v4 =	vmul.f32 s19, v4;
	_ =	sdelay $0x1  }
0xae: {  	[tilespmem:s12+$0x10] =	vst v4;
	v4 =	vld [tilespmem:s12+$0x20]  }
0xaf: {  	v5 =	vld [tilespmem:s17+$0x20];
	_ =	sdelay $0x4  }
0xb0: {  	v4 =	vmul.f32 v5, v4;
	_ =	sdelay $0x1  }
0xb1: {  	v4 =	vmul.f32 s19, v4;
	_ =	sdelay $0x1  }
0xb2: {  	[tilespmem:s12+$0x20] =	vst v4;
	v4 =	vld [tilespmem:s12+$0x30]  }
0xb3: {  	v5 =	vld [tilespmem:s17+$0x30];
	_ =	sdelay $0x4  }
0xb4: {  	v4 =	vmul.f32 v5, v4;
	_ =	sdelay $0x1  }
0xb5: {  	v4 =	vmul.f32 s19, v4;
	_ =	sdelay $0x1  }
0xb6: {  	[tilespmem:s18+$0x30] =	vst v4  }
0xb7: {  	[tilespmem:$0x7580] =	vst v2  }
0xb8: {  	s20 =	simm.s32 $0x2000;
	[tilespmem:$0x7590] =	vst v1  }
0xb9: {  	[spmem:s6] =	stream.indirect.scatter.add.f32 [tilespmem:s20], [sflag:$0x3], $0x80, s3, s2, $0xb8;
	[tilespmem:$0x1B0F8] =	vst v63  }
0xba: {  	s22 =	simm.s32 $0x7580  }
0xbb: {  	[spmem:s7] =	stream.indirect.scatter.add.f32 [tilespmem:s22], [sflag:$0x3], $0x1, s3, s2, $0xb8;
	[tilespmem:$0x1B0F8] =	vst v63  }
0xbc: {  	_ = 	snop  }
0xbd: {  	[hbm4b:s13+s8] =	stream.linear.scatter [tilespmem:s8], [sflag:$0x1], $0x2000, $0x38;
	[tilespmem:$0x1B0F8] =	vst v63  }
0xbe: {  	_ = 	snop  }
0xbf: {  	[hbm4b:s14+s8] =	stream.linear.scatter [tilespmem:s8], [sflag:$0x1], $0x2000, $0x38;
	[tilespmem:$0x1B0F8] =	vst v63  }
0xc0: {  	_ = 	snop  }
0xc1: {  	[hbm4b:s15+s8] =	stream.linear.scatter [tilespmem:s8], [sflag:$0x1], $0x2000, $0x38;
	[tilespmem:$0x1B0F8] =	vst v63  }
0xc2: {  	_ = 	snop  }
0xc3: {  	[hbm4b:s16+s8] =	stream.linear.scatter [tilespmem:s8], [sflag:$0x1], $0x2000, $0x38;
	[tilespmem:$0x1B0F8] =	vst v63  }
0xc4: {  	_ =	swait.ge [sflag:s5], $0x1000  }
0xc5: {  	[sflag:s5] =	ssyncset.done $0x0  }
0xc6: {  	[sflag:s5] =	ssyncadd.s32 $0xFFFFF000  }
0xc7: {  	_ =	swait.ge [sflag:s5], $0x20  }
0xc8: {  	[sflag:s5] =	ssyncset.done $0x0  }
0xc9: {  	[sflag:s5] =	ssyncadd.s32 $0xFFFFFFE0  }
0xca: {  	s17 =	simm.s32 $0x4000;
	[bflag:$0x0] =	sbarrier.arrive $0xFFFF  }
0xcb: {  	[tilespmem:s17], [sflag:$0x2] =	stream.indirect.gather [spmem:s6], $0x80, s3, s2, $0xb8;
	[tilespmem:$0x1B0F8] =	vst v63  }
0xcc: {  	_ = 	snop  }
0xcd: {  	[tilespmem:s0], [sflag:$0x2] =	stream.indirect.gather [spmem:s7], $0x1, s3, s2, $0xb8;
	[tilespmem:$0x1B0F8] =	vst v63  }
0xce: {  	s12 =	simm.s32 @p0 $0x0  }
0xcf: {  	[hbm4b:s24+s12] =	stream.linear.scatter @p0 [tilespmem:s12], [sflag:$0x1], $0x2000, $0x38;
	[tilespmem:$0x1B0F8] =	vst v63  }
0xd0: {  	_ = 	snop  }
0xd1: {  	[hbm4b:s26+s12] =	stream.linear.scatter @p0 [tilespmem:s12], [sflag:$0x1], $0x2000, $0x38;
	[tilespmem:$0x1B0F8] =	vst v63  }
0xd2: {  	_ = 	snop  }
0xd3: {  	[hbm4b:s29+s12] =	stream.linear.scatter @p0 [tilespmem:s12], [sflag:$0x1], $0x1000, $0x38;
	[tilespmem:$0x1B0F8] =	vst v63  }
0xd4: {  	s17 =	rddreg [dreg:$0xf]  }
0xd5: {  	[hbm4b:s17+s12] =	stream.linear.scatter @p0 [tilespmem:s12], [sflag:$0x1], $0x1000, $0x38;
	[tilespmem:$0x1B0F8] =	vst v63  }
0xd6: {  	s12 =	simm.s32 @!p0 $0x0  }
0xd7: {  	[hbm4b:s23+s12] =	stream.linear.scatter @!p0 [tilespmem:s12], [sflag:$0x1], $0x2000, $0x38;
	[tilespmem:$0x1B0F8] =	vst v63  }
0xd8: {  	_ = 	snop  }
0xd9: {  	[hbm4b:s25+s12] =	stream.linear.scatter @!p0 [tilespmem:s12], [sflag:$0x1], $0x2000, $0x38;
	[tilespmem:$0x1B0F8] =	vst v63  }
0xda: {  	_ = 	snop  }
0xdb: {  	[hbm4b:s28+s12] =	stream.linear.scatter @!p0 [tilespmem:s12], [sflag:$0x1], $0x2000, $0x38;
	[tilespmem:$0x1B0F8] =	vst v63  }
0xdc: {  	_ = 	snop  }
0xdd: {  	[hbm4b:s30+s12] =	stream.linear.scatter @!p0 [tilespmem:s12], [sflag:$0x1], $0x2000, $0x38;
	[tilespmem:$0x1B0F8] =	vst v63  }
0xde: {  	_ =	swait.ge [sflag:s4], $0x1000  }
0xdf: {  	[sflag:s4] =	ssyncset.done $0x0  }
0xe0: {  	[sflag:s4] =	ssyncadd.s32 $0xFFFFF000  }
0xe1: {  	_ =	swait.ge [sflag:s4], $0x20  }
0xe2: {  	[sflag:s4] =	ssyncset.done $0x0  }
0xe3: {  	s12 =	simm.s32 @p0 $0x4;
	[sflag:s4] =	ssyncadd.s32 $0xFFFFFFE0  }
0xe4: {  	_ =	swait.ge @p0 [sflag:s12], $0x800  }
0xe5: {  	[sflag:s12] =	ssyncset.done @p0 $0x0  }
0xe6: {  	[sflag:s12] =	ssyncadd.s32 @p0 $0xFFFFF800  }
0xe7: {  	s18 =	simm.s32 $0x0;
	_ =	swait.ge @p0 [sflag:s12], $0x800  }
0xe8: {  	v4 =	vmov s18;
	[sflag:s12] =	ssyncset.done @p0 $0x0  }
0xe9: {  	[sflag:s12] =	ssyncadd.s32 @p0 $0xFFFFF800;
	s12 =	simm.s32 @!p0 $0x4  }
0xea: {  	_ =	swait.ge @!p0 [sflag:s12], $0x1000  }
0xeb: {  	[sflag:s12] =	ssyncset.done @!p0 $0x0  }
0xec: {  	[sflag:s12] =	ssyncadd.s32 @!p0 $0xFFFFF000  }
0xed: {  	v4 =	vld.idx.msk [tilespmem:v4+s0+$0x0], $0xffff;
	_ =	sdelay $0x4  }
0xee: {  	v5 =	vmax.f32 v4, $1.000000000e+00  }
0xef: {  	(erf) = vrcp.f32 v5;
	_ =	sdelay $0x3  }
0xf0: {  	s19 =	simm.s32 $0x4040  }
0xf1: {  	v5 =	vld [tilespmem:s19+$0xFFFFFFC0]  }
0xf2: {  	s17 =	simm.s32 $0x5040  }
0xf3: {  	v6 =	vld [tilespmem:s17+$0xFFFFFFC0];
	_ =	sdelay $0x1  }
0xf4: {  	v7 =	vpop (erf)  }
0xf5: {  	v5 =	vmul.f32 v7, v5;
	_ =	sdelay $0x1  }
0xf6: {  	vm0 =	vgt.f32 v4, $0.0e+00;
	v4 =	vadd.f32 v5, v6  }
0xf7: {  	v6 =	vsel vm0, $0x3F800000, v3  }
0xf8: {  	v4 =	vmul.f32 v6, v4  }
0xf9: {  	s12 =	simm.s32 $0x6040  }
0xfa: {  	[tilespmem:s12+$0xFFFFFFC0] =	vst v4  }
0xfb: {  	v4 =	vld [tilespmem:s19+$0xFFFFFFD0];
	_ =	sdelay $0x1  }
0xfc: {  	v5 =	vld [tilespmem:s17+$0xFFFFFFD0];
	_ =	sdelay $0x2  }
0xfd: {  	v4 =	vmul.f32 v4, v7;
	_ =	sdelay $0x1  }
0xfe: {  	v4 =	vadd.f32 v5, v4;
	_ =	sdelay $0x1  }
0xff: {  	v4 =	vmul.f32 v6, v4;
	_ =	sdelay $0x1  }
0x100: {  	[tilespmem:s12+$0xFFFFFFD0] =	vst v4  }
0x101: {  	v4 =	vld [tilespmem:s19+$0xFFFFFFE0];
	_ =	sdelay $0x1  }
0x102: {  	v5 =	vld [tilespmem:s17+$0xFFFFFFE0];
	_ =	sdelay $0x2  }
0x103: {  	v4 =	vmul.f32 v4, v7;
	_ =	sdelay $0x1  }
0x104: {  	v4 =	vadd.f32 v5, v4;
	_ =	sdelay $0x1  }
0x105: {  	v4 =	vmul.f32 v6, v4;
	_ =	sdelay $0x1  }
0x106: {  	[tilespmem:s12+$0xFFFFFFE0] =	vst v4  }
0x107: {  	v4 =	vld [tilespmem:s19+$0xFFFFFFF0];
	_ =	sdelay $0x1  }
0x108: {  	v5 =	vld [tilespmem:s17+$0xFFFFFFF0];
	_ =	sdelay $0x2  }
0x109: {  	v4 =	vmul.f32 v4, v7;
	_ =	sdelay $0x1  }
0x10a: {  	v4 =	vadd.f32 v5, v4;
	_ =	sdelay $0x1  }
0x10b: {  	v4 =	vmul.f32 v6, v4;
	_ =	sdelay $0x1  }
0x10c: {  	[tilespmem:s12+$0xFFFFFFF0] =	vst v4  }
0x10d: {  	v4 =	vld [tilespmem:s19+$0x0];
	_ =	sdelay $0x1  }
0x10e: {  	v5 =	vld [tilespmem:s17+$0x0];
	_ =	sdelay $0x2  }
0x10f: {  	v4 =	vmul.f32 v4, v7;
	_ =	sdelay $0x1  }
0x110: {  	v4 =	vadd.f32 v5, v4;
	_ =	sdelay $0x1  }
0x111: {  	v4 =	vmul.f32 v6, v4;
	_ =	sdelay $0x1  }
0x112: {  	[tilespmem:s12+$0x0] =	vst v4  }
0x113: {  	v4 =	vld [tilespmem:s19+$0x10];
	_ =	sdelay $0x1  }
0x114: {  	v5 =	vld [tilespmem:s17+$0x10];
	_ =	sdelay $0x2  }
0x115: {  	v4 =	vmul.f32 v4, v7;
	_ =	sdelay $0x1  }
0x116: {  	v4 =	vadd.f32 v5, v4;
	_ =	sdelay $0x1  }
0x117: {  	v4 =	vmul.f32 v6, v4;
	_ =	sdelay $0x1  }
0x118: {  	[tilespmem:s12+$0x10] =	vst v4  }
0x119: {  	v4 =	vld [tilespmem:s19+$0x20];
	_ =	sdelay $0x1  }
0x11a: {  	v5 =	vld [tilespmem:s17+$0x20];
	_ =	sdelay $0x2  }
0x11b: {  	v4 =	vmul.f32 v4, v7;
	_ =	sdelay $0x1  }
0x11c: {  	v4 =	vadd.f32 v5, v4;
	_ =	sdelay $0x1  }
0x11d: {  	v4 =	vmul.f32 v6, v4;
	_ =	sdelay $0x1  }
0x11e: {  	[tilespmem:s12+$0x20] =	vst v4  }
0x11f: {  	v4 =	vld [tilespmem:s19+$0x30];
	_ =	sdelay $0x1  }
0x120: {  	v5 =	vld [tilespmem:s17+$0x30];
	_ =	sdelay $0x2  }
0x121: {  	v4 =	vmul.f32 v4, v7  }
0x122: {  	s20 =	simm.s32 $0x1  }
0x123: {  	v4 =	vadd.f32 v5, v4;
	v5 =	vmov s20;
	_ =	sdelay $0x1  }
0x124: {  	s18 =	simm.s32 $0x40C0;
	s22 =	simm.s32 $0x2;
	v4 =	vmul.f32 v6, v4  }
.LBB2_6:
0x125: {  	s17 =	sadd.s32 $0x80, s17  }
0x126: {  	[tilespmem:s12+$0x30] =	vst v4;
	s12 =	sadd.s32 $0x80, s12;
	s20 =	smov.u32 s22;
	s19 =	sadd.s32 $0x1, s22  }
0x127: {  	p1 =	sne.s32 s22, $0x1F;
	v4 =	vld.idx.msk [tilespmem:v5+s0+$0x0], $0xffff;
	_ =	sdelay $0x5  }
0x128: {  	vm0 =	vgt.f32 v4, $0.0e+00;
	v4 =	vmax.f32 v4, $1.000000000e+00  }
0x129: {  	(erf) = vrcp.f32 v4;
	_ =	sdelay $0x4  }
0x12a: {  	v4 =	vld [tilespmem:s18+$0xFFFFFFC0];
	_ =	sdelay $0x1  }
0x12b: {  	v6 =	vld [tilespmem:s17+$0xFFFFFFC0];
	_ =	sdelay $0x1  }
0x12c: {  	v5 =	vpop (erf)  }
0x12d: {  	v4 =	vmul.f32 v5, v4;
	_ =	sdelay $0x1  }
0x12e: {  	v6 =	vadd.f32 v4, v6  }
0x12f: {  	v4 =	vsel vm0, $0x3F800000, v3  }
0x130: {  	v6 =	vmul.f32 v4, v6;
	_ =	sdelay $0x1  }
0x131: {  	[tilespmem:s12+$0xFFFFFFC0] =	vst v6  }
0x132: {  	v6 =	vld [tilespmem:s18+$0xFFFFFFD0];
	_ =	sdelay $0x1  }
0x133: {  	v7 =	vld [tilespmem:s17+$0xFFFFFFD0];
	_ =	sdelay $0x2  }
0x134: {  	v6 =	vmul.f32 v6, v5;
	_ =	sdelay $0x1  }
0x135: {  	v6 =	vadd.f32 v7, v6;
	_ =	sdelay $0x1  }
0x136: {  	v6 =	vmul.f32 v4, v6;
	_ =	sdelay $0x1  }
0x137: {  	[tilespmem:s12+$0xFFFFFFD0] =	vst v6  }
0x138: {  	v6 =	vld [tilespmem:s18+$0xFFFFFFE0];
	_ =	sdelay $0x1  }
0x139: {  	v7 =	vld [tilespmem:s17+$0xFFFFFFE0];
	_ =	sdelay $0x2  }
0x13a: {  	v6 =	vmul.f32 v6, v5;
	_ =	sdelay $0x1  }
0x13b: {  	v6 =	vadd.f32 v7, v6;
	_ =	sdelay $0x1  }
0x13c: {  	v6 =	vmul.f32 v4, v6;
	_ =	sdelay $0x1  }
0x13d: {  	[tilespmem:s12+$0xFFFFFFE0] =	vst v6  }
0x13e: {  	v6 =	vld [tilespmem:s18+$0xFFFFFFF0];
	_ =	sdelay $0x1  }
0x13f: {  	v7 =	vld [tilespmem:s17+$0xFFFFFFF0];
	_ =	sdelay $0x2  }
0x140: {  	v6 =	vmul.f32 v6, v5;
	_ =	sdelay $0x1  }
0x141: {  	v6 =	vadd.f32 v7, v6;
	_ =	sdelay $0x1  }
0x142: {  	v6 =	vmul.f32 v4, v6;
	_ =	sdelay $0x1  }
0x143: {  	[tilespmem:s12+$0xFFFFFFF0] =	vst v6  }
0x144: {  	v6 =	vld [tilespmem:s18+$0x0];
	_ =	sdelay $0x1  }
0x145: {  	v7 =	vld [tilespmem:s17+$0x0];
	_ =	sdelay $0x2  }
0x146: {  	v6 =	vmul.f32 v6, v5;
	_ =	sdelay $0x1  }
0x147: {  	v6 =	vadd.f32 v7, v6;
	_ =	sdelay $0x1  }
0x148: {  	v6 =	vmul.f32 v4, v6;
	_ =	sdelay $0x1  }
0x149: {  	[tilespmem:s12+$0x0] =	vst v6  }
0x14a: {  	v6 =	vld [tilespmem:s18+$0x10]  }
0x14b: {  	v7 =	vld [tilespmem:s17+$0x10];
	_ =	sdelay $0x3  }
0x14c: {  	v6 =	vmul.f32 v6, v5;
	_ =	sdelay $0x1  }
0x14d: {  	v6 =	vadd.f32 v7, v6;
	_ =	sdelay $0x1  }
0x14e: {  	v6 =	vmul.f32 v4, v6;
	_ =	sdelay $0x1  }
0x14f: {  	[tilespmem:s12+$0x10] =	vst v6  }
0x150: {  	v6 =	vld [tilespmem:s18+$0x20]  }
0x151: {  	v7 =	vld [tilespmem:s17+$0x20];
	_ =	sdelay $0x3  }
0x152: {  	v6 =	vmul.f32 v6, v5;
	_ =	sdelay $0x1  }
0x153: {  	v6 =	vadd.f32 v7, v6;
	_ =	sdelay $0x1  }
0x154: {  	v6 =	vmul.f32 v4, v6;
	_ =	sdelay $0x1  }
0x155: {  	[tilespmem:s12+$0x20] =	vst v6  }
0x156: {  	v6 =	vld [tilespmem:s18+$0x30]  }
0x157: {  	v7 =	vld [tilespmem:s17+$0x30];
	_ =	sdelay $0x3  }
0x158: {  	v6 =	vmul.f32 v6, v5  }
.Ltmp2:
0x159: {  	(pc) =	sbr.rel @p1 .LBB2_6-.Ltmp2, $3  }
0x15a: {  	v5 =	vmov s20;
	v6 =	vadd.f32 v7, v6;
	_ =	sdelay $0x1  }
0x15b: {  	v4 =	vmul.f32 v4, v6  }
0x15c: {  	s22 =	smov.u32 s19;
	s18 =	sadd.s32 $0x80, s18  }
0x15d: {  	_ =	sdelay $0x2  }
0x15e: {  	[tilespmem:s12+$0x30] =	vst v4  }
0x15f: {  	v4 =	vld.idx.msk [tilespmem:v5+s0+$0x0], $0xffff;
	_ =	sdelay $0x4  }
0x160: {  	v5 =	vmax.f32 v4, $1.000000000e+00  }
0x161: {  	(erf) = vrcp.f32 v5;
	_ =	sdelay $0x4  }
0x162: {  	v5 =	vld [tilespmem:s18+$0xFFFFFFC0]  }
0x163: {  	s17 =	sadd.s32 $0x80, s17  }
0x164: {  	v6 =	vld [tilespmem:s17+$0xFFFFFFC0];
	_ =	sdelay $0x1  }
0x165: {  	v7 =	vpop (erf)  }
0x166: {  	v5 =	vmul.f32 v7, v5;
	_ =	sdelay $0x1  }
0x167: {  	vm0 =	vgt.f32 v4, $0.0e+00;
	v4 =	vadd.f32 v5, v6  }
0x168: {  	v5 =	vsel vm0, $0x3F800000, v3  }
0x169: {  	v4 =	vmul.f32 v5, v4  }
0x16a: {  	s22 =	sadd.s32 $0x80, s12  }
0x16b: {  	[tilespmem:s22+$0xFFFFFFC0] =	vst v4  }
0x16c: {  	v4 =	vld [tilespmem:s18+$0xFFFFFFD0];
	_ =	sdelay $0x1  }
0x16d: {  	v57 =	vld [tilespmem:s17+$0xFFFFFFD0];
	_ =	sdelay $0x2  }
0x16e: {  	v4 =	vmul.f32 v4, v7;
	_ =	sdelay $0x1  }
0x16f: {  	v4 =	vadd.f32 v57, v4;
	_ =	sdelay $0x1  }
0x170: {  	v4 =	vmul.f32 v5, v4;
	_ =	sdelay $0x1  }
0x171: {  	[tilespmem:s22+$0xFFFFFFD0] =	vst v4  }
0x172: {  	v4 =	vld [tilespmem:s18+$0xFFFFFFE0];
	_ =	sdelay $0x1  }
0x173: {  	v58 =	vld [tilespmem:s17+$0xFFFFFFE0];
	_ =	sdelay $0x2  }
0x174: {  	v4 =	vmul.f32 v4, v7;
	_ =	sdelay $0x1  }
0x175: {  	v4 =	vadd.f32 v58, v4;
	_ =	sdelay $0x1  }
0x176: {  	v4 =	vmul.f32 v5, v4;
	_ =	sdelay $0x1  }
0x177: {  	[tilespmem:s22+$0xFFFFFFE0] =	vst v4  }
0x178: {  	v4 =	vld [tilespmem:s18+$0xFFFFFFF0];
	_ =	sdelay $0x1  }
0x179: {  	v59 =	vld [tilespmem:s17+$0xFFFFFFF0];
	_ =	sdelay $0x2  }
0x17a: {  	v4 =	vmul.f32 v4, v7;
	_ =	sdelay $0x1  }
0x17b: {  	v4 =	vadd.f32 v59, v4;
	_ =	sdelay $0x1  }
0x17c: {  	v4 =	vmul.f32 v5, v4;
	_ =	sdelay $0x1  }
0x17d: {  	[tilespmem:s22+$0xFFFFFFF0] =	vst v4  }
0x17e: {  	v4 =	vld [tilespmem:s18+$0x0];
	_ =	sdelay $0x1  }
0x17f: {  	v60 =	vld [tilespmem:s17+$0x0];
	_ =	sdelay $0x2  }
0x180: {  	v4 =	vmul.f32 v4, v7;
	_ =	sdelay $0x1  }
0x181: {  	v4 =	vadd.f32 v60, v4;
	_ =	sdelay $0x1  }
0x182: {  	v4 =	vmul.f32 v5, v4;
	_ =	sdelay $0x1  }
0x183: {  	[tilespmem:s22+$0x0] =	vst v4  }
0x184: {  	v4 =	vld [tilespmem:s18+$0x10];
	_ =	sdelay $0x1  }
0x185: {  	v61 =	vld [tilespmem:s17+$0x10];
	_ =	sdelay $0x2  }
0x186: {  	v4 =	vmul.f32 v4, v7;
	_ =	sdelay $0x1  }
0x187: {  	v4 =	vadd.f32 v61, v4;
	_ =	sdelay $0x1  }
0x188: {  	v4 =	vmul.f32 v5, v4;
	_ =	sdelay $0x1  }
0x189: {  	[tilespmem:s22+$0x10] =	vst v4  }
0x18a: {  	v4 =	vld [tilespmem:s18+$0x20];
	_ =	sdelay $0x1  }
0x18b: {  	v62 =	vld [tilespmem:s17+$0x20];
	_ =	sdelay $0x2  }
0x18c: {  	v4 =	vmul.f32 v4, v7;
	_ =	sdelay $0x1  }
0x18d: {  	v4 =	vadd.f32 v62, v4;
	_ =	sdelay $0x1  }
0x18e: {  	v4 =	vmul.f32 v5, v4;
	_ =	sdelay $0x1  }
0x18f: {  	[tilespmem:s22+$0x20] =	vst v4  }
0x190: {  	v4 =	vld [tilespmem:s18+$0x30];
	_ =	sdelay $0x1  }
0x191: {  	v63 =	vld [tilespmem:s17+$0x30];
	_ =	sdelay $0x2  }
0x192: {  	v4 =	vmul.f32 v4, v7;
	_ =	sdelay $0x1  }
0x193: {  	v4 =	vadd.f32 v63, v4;
	_ =	sdelay $0x1  }
0x194: {  	v4 =	vmul.f32 v5, v4;
	_ =	sdelay $0x1  }
0x195: {  	[tilespmem:s22+$0x30] =	vst v4  }
0x196: {  	_ =	swait.ge [sflag:s1], $0x2000  }
0x197: {  	[sflag:s1] =	ssyncset.done $0x0  }
0x198: {  	[sflag:s1] =	ssyncadd.s32 $0xFFFFE000  }
0x199: {  	_ =	swait.ge [sflag:s1], $0x2000  }
0x19a: {  	[sflag:s1] =	ssyncset.done $0x0  }
0x19b: {  	[sflag:s1] =	ssyncadd.s32 $0xFFFFE000  }
0x19c: {  	_ =	swait.ge [sflag:s1], $0x2000  }
0x19d: {  	[sflag:s1] =	ssyncset.done $0x0  }
0x19e: {  	[sflag:s1] =	ssyncadd.s32 $0xFFFFE000  }
0x19f: {  	_ =	swait.ge [sflag:s1], $0x2000  }
0x1a0: {  	[sflag:s1] =	ssyncset.done $0x0  }
0x1a1: {  	[sflag:s1] =	ssyncadd.s32 $0xFFFFE000  }
0x1a2: {  	_ =	swait.ge [sflag:s1], $0x2000  }
0x1a3: {  	[sflag:s1] =	ssyncset.done $0x0  }
0x1a4: {  	[sflag:s1] =	ssyncadd.s32 $0xFFFFE000  }
0x1a5: {  	_ =	swait.ge [sflag:s1], $0x2000  }
0x1a6: {  	[sflag:s1] =	ssyncset.done $0x0  }
0x1a7: {  	[sflag:s1] =	ssyncadd.s32 $0xFFFFE000  }
0x1a8: {  	_ =	swait.ge [sflag:s1], $0x2000  }
0x1a9: {  	[sflag:s1] =	ssyncset.done $0x0  }
0x1aa: {  	[sflag:s1] =	ssyncadd.s32 $0xFFFFE000  }
0x1ab: {  	_ =	swait.ge [sflag:s1], $0x2000  }
0x1ac: {  	[sflag:s1] =	ssyncset.done $0x0  }
0x1ad: {  	[sflag:s1] =	ssyncadd.s32 $0xFFFFE000  }
0x1ae: {  	_ =	swait.ge [sflag:s1], $0x2000  }
0x1af: {  	[sflag:s1] =	ssyncset.done $0x0  }
0x1b0: {  	s12 =	simm.s32 @p0 $0x1;
	[sflag:s1] =	ssyncadd.s32 $0xFFFFE000  }
0x1b1: {  	_ =	swait.ge @p0 [sflag:s12], $0x1000  }
0x1b2: {  	[sflag:s12] =	ssyncset.done @p0 $0x0  }
0x1b3: {  	[sflag:s12] =	ssyncadd.s32 @p0 $0xFFFFF000  }
0x1b4: {  	_ =	swait.ge @p0 [sflag:s12], $0x1000  }
0x1b5: {  	[sflag:s12] =	ssyncset.done @p0 $0x0  }
0x1b6: {  	[sflag:s12] =	ssyncadd.s32 @p0 $0xFFFFF000  }
0x1b7: {  	s17 =	simm.s32 @p0 $0x7400;
	[bflag:$0x0] =	sbarrier.arrive @p0 $0xFFFF  }
0x1b8: {  	s18 =	simm.s32 @p0 $0x6000;
	s12 =	simm.s32 @p0 $0x20;
	s19 =	rddreg [dreg:$0x5]  }
0x1b9: {  	[hbm4b:s19+s12] =	stream.indirect.scatter @p0 [tilespmem:s18], [sflag:$0x4], $0x80, s17, s12, $0xb8;
	[tilespmem:$0x1B0F8] =	vst v63  }
0x1ba: {  	s12 =	simm.s32 @!p0 $0x1  }
0x1bb: {  	_ =	swait.ge @!p0 [sflag:s12], $0x2000  }
0x1bc: {  	[sflag:s12] =	ssyncset.done @!p0 $0x0  }
0x1bd: {  	s11 =	sadd.s32 $0x1, s11;
	[sflag:s12] =	ssyncadd.s32 @!p0 $0xFFFFE000  }
0x1be: {  	p1 =	sne.s32 s11, s31;
	s17 =	simm.s32 @!p0 $0x7400;
	[bflag:$0x0] =	sbarrier.arrive @!p0 $0xFFFF  }
0x1bf: {  	s18 =	simm.s32 @!p0 $0x6000;
	s12 =	simm.s32 @!p0 $0x20;
	s19 =	rddreg [dreg:$0x4]  }
0x1c0: {  	[hbm4b:s19+s12] =	stream.indirect.scatter @!p0 [tilespmem:s18], [sflag:$0x5], $0x80, s17, s12, $0xb8;
	[tilespmem:$0x1B0F8] =	vst v63  }
.Ltmp3:
0x1c1: {  	s12 =	simm.s32 @!p0 $0x5;
	(pc) =	sbr.rel @p1 .LBB2_1-.Ltmp3, $4  }
0x1c2: {  	s12 =	simm.s32 @p0 $0x4  }
0x1c3: {  	_ =	swait.ge [sflag:s12], $0x1000  }
0x1c4: {  	[sflag:s12] =	ssyncset.done $0x0  }
0x1c5: {  	[sflag:s12] =	ssyncadd.s32 $0xFFFFF000  }
0x1c6: {  	_ =	sfence.sel $0x180000  }
0x1c7: {  	[bflag:$0x0] =	sbarrier.arrive $0xFFFF  }
0x1c8: {  	_ =	strace $0x90000047  }
0x1c9: {  	s0 =	stileid.u32;
	[bflag:$0x2] =	sbarrier.arrive $0xFFFF  }
0x1ca: {  	p0 =	sne.s32 s0, $0x0;
	s0 =	rddreg [dreg:$0x8]  }
0x1cb: {  	s0 =	sadd.s32 @!p0 $0x100000, s0  }
0x1cc: {  	[sflag:s0] =	ssyncadd.tile.s32 @!p0 $0x1;
	_ =	shalt  }
.Lfunc_end2:
_tile_overlayer_lowered:
.L_overlay_start_2:
0x1cd: {  	(tag) =	ssettag $0x2  }
0x1ce: {  	s0 =	rddreg [dreg:$0x0];
	s2 =	stileid.u32  }
0x1cf: {  	s1 =	rddreg [dreg:$0x1];
	p0 =	sne.s32 s2, $0x0  }
0x1d0: {  	s3 =	rddreg [dreg:$0x2];
	[bflag:$0x3] =	sbarrier.arrive $0xFFFF;
	s2 =	simm.s32 @!p0 $0x1C05  }
0x1d1: {  	[timem:s3], [sflag:s2] =	dma.local @!p0 [hbm:s0], s1  }
0x1d2: {  	s0 =	simm.s32 @!p0 $0x5  }
0x1d3: {  	_ =	swait.ge @!p0 [sflag:s0], s1  }
0x1d4: {  	s1 =	ssub.s32 @!p0 $0x0, s1;
	[sflag:s0] =	ssyncset.done @!p0 $0x0  }
0x1d5: {  	[sflag:s0] =	ssyncadd.s32 @!p0 s1  }
0x1d6: {  	[bflag:$0x3] =	sbarrier.arrive $0xFFFF  }
0x1d7: {  	_ =	shalt  }

</sc_bundles>
